<compile_context>
chip_gen: v7x
topology: tpu7x:2x2x1
jax: 0.10.2.dev20260603
libtpu: 0.0.44.dev20260713+nightly
codegen_flags: <defaults>
</compile_context>

<pallas_src>
import functools

import jax
import jax.numpy as jnp
from jax import lax
from jax.experimental import pallas as pl
from jax.experimental.pallas import tpu as pltpu
from jax.experimental.pallas import tpu_sc as plsc

_M = 1024
_D = 256
_BLK = 3072


def _vq_kernel(nblocks, n_rows, x_ref, e2_ref, embt2_bf_ref,
               inds_ref, cp_ref, pp_ref,
               psum_ref, hist_ref):
    i = pl.program_id(0)

    @pl.when(i == 0)
    def _init():
        psum_ref[...] = jnp.zeros_like(psum_ref)
        hist_ref[...] = jnp.zeros_like(hist_ref)

    x = x_ref[...]
    x2 = jnp.sum(x * x, axis=1, keepdims=True)
    s2 = jnp.dot(x.astype(jnp.bfloat16), embt2_bf_ref[...],
                 preferred_element_type=jnp.float32)
    dmap = s2 - (e2_ref[...] + x2)

    m = jnp.max(dmap, axis=1, keepdims=True)
    iota_i = jax.lax.broadcasted_iota(jnp.int32, (1, _M), 1)
    riota = (_M - iota_i).astype(jnp.float32)
    masked = jnp.where(dmap == m, riota, 0.0)
    r = jnp.max(masked, axis=1, keepdims=True)
    k = (float(_M) - r).astype(jnp.int32)
    inds_ref[...] = k

    p = jnp.exp(dmap - m)
    inv = 1.0 / jnp.sum(p, axis=1, keepdims=True)
    ones_row = jnp.ones((1, x.shape[0]), jnp.bfloat16)
    pb = (p * inv).astype(jnp.bfloat16)
    psum_ref[...] += jnp.dot(ones_row, pb,
                             preferred_element_type=jnp.float32)

    ohb = jnp.where(masked == r, 1.0, 0.0).astype(jnp.bfloat16)
    hist_ref[...] += jnp.dot(ones_row, ohb,
                             preferred_element_type=jnp.float32)

    @pl.when(i == nblocks - 1)
    def _finish():
        inv_n = 1.0 / n_rows
        hp = hist_ref[...] * inv_n
        cp_ref[...] = -jnp.sum(hp * (jnp.log2(hp + 1e-10)), axis=1, keepdims=True)
        ap = psum_ref[...] * inv_n
        pp_ref[...] = -jnp.sum(ap * (jnp.log2(ap + 1e-10)), axis=1, keepdims=True)


def _sc_gather(n, chunk, table_hbm, idx_hbm, out_hbm, idx_v,
               rows_a, rows_b, sem_a, sem_b):
    info = plsc.get_sparse_core_info()
    nw = info.num_cores * info.num_subcores
    b_per_w = n // nw
    nchunks = b_per_w // chunk
    wid = lax.axis_index("s") * info.num_cores + lax.axis_index("c")
    base = wid * b_per_w
    pltpu.sync_copy(idx_hbm.at[pl.ds(base, b_per_w)], idx_v)
    rows = [rows_a, rows_b]
    sems = [sem_a, sem_b]
    handles = [pltpu.async_copy(table_hbm.at[idx_v.at[pl.ds(0, chunk)]],
                                rows_a, sem_a), None]
    for c in range(nchunks):
        handles[c % 2].wait()
        if c + 1 < nchunks:
            handles[(c + 1) % 2] = pltpu.async_copy(
                table_hbm.at[idx_v.at[pl.ds((c + 1) * chunk, chunk)]],
                rows[(c + 1) % 2], sems[(c + 1) % 2])
        pltpu.sync_copy(rows[c % 2], out_hbm.at[pl.ds(base + c * chunk, chunk)])


def kernel(x, embedding):
    bsz, tsz, csz = x.shape
    n = bsz * tsz
    x_flat = x.reshape(n, csz)
    emb = embedding[0]
    embt = emb.T
    e2 = jnp.sum(emb * emb, axis=1)[None, :]
    nblocks = n // _BLK

    inds, cp, pp = pl.pallas_call(
        functools.partial(_vq_kernel, nblocks, float(n)),
        grid=(nblocks,),
        in_specs=[
            pl.BlockSpec((_BLK, _D), lambda i: (i, 0)),
            pl.BlockSpec((1, _M), lambda i: (0, 0)),
            pl.BlockSpec((_D, _M), lambda i: (0, 0)),
        ],
        out_specs=[
            pl.BlockSpec((_BLK, 1), lambda i: (i, 0)),
            pl.BlockSpec((1, 1), lambda i: (0, 0)),
            pl.BlockSpec((1, 1), lambda i: (0, 0)),
        ],
        out_shape=[
            jax.ShapeDtypeStruct((n, 1), jnp.int32),
            jax.ShapeDtypeStruct((1, 1), jnp.float32),
            jax.ShapeDtypeStruct((1, 1), jnp.float32),
        ],
        scratch_shapes=[
            pltpu.VMEM((1, _M), jnp.float32),
            pltpu.VMEM((1, _M), jnp.float32),
        ],
    )(x_flat, e2, (2.0 * embt).astype(jnp.bfloat16))

    table = emb.astype(jnp.bfloat16).astype(jnp.float32)
    mesh = plsc.VectorSubcoreMesh(core_axis_name="c", subcore_axis_name="s")
    chunk = 96
    q = pl.kernel(
        functools.partial(_sc_gather, n, chunk),
        mesh=mesh,
        out_type=jax.ShapeDtypeStruct((n, _D), jnp.float32),
        scratch_types=[
            pltpu.VMEM((n // 32,), jnp.int32),
            pltpu.VMEM((chunk, _D), jnp.float32),
            pltpu.VMEM((chunk, _D), jnp.float32),
            pltpu.SemaphoreType.DMA,
            pltpu.SemaphoreType.DMA,
        ],
    )(table, inds.reshape(n))

    quantized = q.reshape(bsz, tsz, csz)
    quantization_inds = inds.reshape(bsz, tsz, 1)
    return (quantized, cp[0, 0], pp[0, 0], quantization_inds)

# --- scband reference (transcript-rebuilt; emitter-appended) ---
"""Pipeline reference for scband-gumbel-vector-quantizer-83124797047428 (READ-ONLY COPY).

The authoritative reference and input builder live on the scoring server;
editing this copy changes nothing except your own understanding.
"""

import jax, jax.numpy as jnp
import numpy as np

ALPHA = -1.0
GROUPS = 1

def setup_inputs(seed: int = 0) -> dict:
    key = jax.random.key(seed)
    k1, k2 = jax.random.split(key)
    x = jax.random.normal(k1, (32, 576, 256), dtype=jnp.float32)
    # embedding param: (1, num_groups * n_embeddings, embedding_dim) = (1, 1024, 256), uniform(-1, 1)
    embedding = jax.random.uniform(k2, (1, 1024, 256), dtype=jnp.float32, minval=-1.0, maxval=1.0)
    return {"x": x, "embedding": embedding}

def reference(x, embedding):
    # Eval-mode (hard) path of GumbelVectorQuantizer.forward, groups=1, combine_groups=False
    bsz, tsz, csz = x.shape
    M = embedding.shape[1]
    emb = embedding[0]  # [M, D]
    x_flat = x.reshape(-1, csz)  # [N, D]
    # addmm(beta*(||e||^2 + ||x||^2), x, e^T, alpha=-2): squared L2 distances
    distances = (jnp.sum(emb ** 2, axis=1)[None, :]
                 + jnp.sum(x_flat ** 2, axis=1, keepdims=True)
                 - 2.0 * (x_flat @ emb.T))  # [N, M]
    dmap = ALPHA * distances
    dmap = dmap.reshape(bsz * tsz * GROUPS, -1)
    k = jnp.argmax(dmap, axis=-1)  # [N]
    hard_x = jax.nn.one_hot(k, M, dtype=dmap.dtype).reshape(bsz * tsz, GROUPS, -1)
    hard_probs = jnp.mean(hard_x, axis=0)  # [GROUPS, M]
    code_perplexity = jnp.squeeze(-jnp.sum(hard_probs * jnp.log2(hard_probs + 1e-10), axis=-1))
    avg_probs = jax.nn.softmax(dmap.reshape(bsz * tsz, GROUPS, -1).astype(jnp.float32), axis=-1).mean(axis=0)
    prob_perplexity = jnp.squeeze(-jnp.sum(avg_probs * jnp.log2(avg_probs + 1e-10), axis=-1))
    dm = hard_x.reshape(bsz * tsz, -1)  # [N, M] one-hot (eval: distances_map = hard_x)
    quantization_inds = jnp.argmax(dm.reshape(bsz * tsz * GROUPS, -1), axis=-1).reshape(bsz, tsz, GROUPS)
    # (dm.unsqueeze(-1) * vars).view(N, G, M, D).sum(-2) == dm @ emb for groups=1 (same math, no huge intermediate)
    quantized = (dm @ emb).reshape(bsz, tsz, -1)
    return (quantized, code_perplexity, prob_perplexity, quantization_inds)

if __name__ == "__main__":
    import jax
    _d = setup_inputs()
    print(jax.jit(kernel)(*tuple(_d.values())))

</pallas_src>

<mosaic_0001>
#map = affine_map<(d0, d1) -> (0, 0)>
#map1 = affine_map<(d0, d1) -> (0)>
module attributes {stable_mosaic.version = 14 : i64} {
  func.func @_sc_gather(%arg0: i32, %arg1: i32, %arg2: memref<1024x256xf32, #tpu.memory_space<hbm>>, %arg3: memref<18432xi32, #tpu.memory_space<hbm>>, %arg4: memref<18432x256xf32, #tpu.memory_space<hbm>>, %arg5: memref<576xi32, #tpu.memory_space<vmem>>, %arg6: memref<96x256xf32, #tpu.memory_space<vmem>>, %arg7: memref<96x256xf32, #tpu.memory_space<vmem>>, %arg8: memref<!tpu.dma_semaphore, #tpu.memory_space<semaphore_mem>>, %arg9: memref<!tpu.dma_semaphore, #tpu.memory_space<semaphore_mem>>) attributes {dimension_semantics = [#tpu.dimension_semantics<core_parallel>, #tpu.dimension_semantics<subcore_parallel>], iteration_bounds = array<i64: 2, 16>, scalar_prefetch = 0 : i64, scratch_operands = 5 : i64, tpu.core_type = #tpu.core_type<sc_vector_subcore>, window_params = [{transform_indices = #map}, {transform_indices = #map1}, {transform_indices = #map}]} {
    %mul3A = arith.constant 2 : i32
    %mul3A_0 = arith.muli %arg1, %mul3A : i32
    %add3A = arith.addi %mul3A_0, %arg0 : i32
    %mul3A_1 = arith.constant 576 : i32
    %mul3A_2 = arith.muli %add3A, %mul3A_1 : i32
    "tpu.region"() ({
      %run_scoped3A = tpu.sem_alloc : memref<!tpu.dma_semaphore, #tpu.memory_space<semaphore_mem>>
      %dma_start3A_73 = tpu.memref_slice %arg3[%mul3A_2] : memref<18432xi32, #tpu.memory_space<hbm>> -> memref<576xi32, #tpu.memory_space<hbm>>
      %dma_start3A_74 = tpu.memref_slice %arg3[%mul3A_2] : memref<18432xi32, #tpu.memory_space<hbm>> -> memref<576xi32, #tpu.memory_space<hbm>>
      tpu.enqueue_dma source(%dma_start3A_74 : memref<576xi32, #tpu.memory_space<hbm>>) target(%arg5 : memref<576xi32, #tpu.memory_space<vmem>>) target_semaphore(%run_scoped3A : memref<!tpu.dma_semaphore, #tpu.memory_space<semaphore_mem>>)
      %dma_wait3A_75 = tpu.memref_slice %arg3[%mul3A_2] : memref<18432xi32, #tpu.memory_space<hbm>> -> memref<576xi32, #tpu.memory_space<hbm>>
      %dma_wait3A_76 = tpu.memref_slice %arg3[%mul3A_2] : memref<18432xi32, #tpu.memory_space<hbm>> -> memref<576xi32, #tpu.memory_space<hbm>>
      tpu.wait_dma2 semaphore(%run_scoped3A : memref<!tpu.dma_semaphore, #tpu.memory_space<semaphore_mem>>) src(%dma_wait3A_76 : memref<576xi32, #tpu.memory_space<hbm>>) dst(%arg5 : memref<576xi32, #tpu.memory_space<vmem>>)
      tpu.yield
    }) : () -> ()
    %dma_start3A = arith.constant 0 : i32
    %dma_start3A_3 = tpu.memref_slice %arg5[%dma_start3A] : memref<576xi32, #tpu.memory_space<vmem>> -> memref<96xi32, #tpu.memory_space<vmem>>
    %dma_start3A_4 = arith.constant 0 : i32
    %dma_start3A_5 = arith.constant 0 : i32
    %dma_start3A_6 = tpu.memref_slice %arg2[%dma_start3A_4, %dma_start3A_5] : memref<1024x256xf32, #tpu.memory_space<hbm>> -> memref<1024x256xf32, #tpu.memory_space<hbm>>
    tpu.enqueue_indirect_dma source(%dma_start3A_6 : memref<1024x256xf32, #tpu.memory_space<hbm>>) target(%arg6 : memref<96x256xf32, #tpu.memory_space<vmem>>) offsets(%dma_start3A_3 : memref<96xi32, #tpu.memory_space<vmem>>) semaphore(%arg8 : memref<!tpu.dma_semaphore, #tpu.memory_space<semaphore_mem>>)
    %dma_wait3A = arith.constant 0 : i32
    %dma_wait3A_7 = tpu.memref_slice %arg5[%dma_wait3A] : memref<576xi32, #tpu.memory_space<vmem>> -> memref<96xi32, #tpu.memory_space<vmem>>
    %dma_wait3A_8 = arith.constant 0 : i32
    %dma_wait3A_9 = arith.constant 0 : i32
    %dma_wait3A_10 = tpu.memref_slice %arg2[%dma_wait3A_8, %dma_wait3A_9] : memref<1024x256xf32, #tpu.memory_space<hbm>> -> memref<1024x256xf32, #tpu.memory_space<hbm>>
    tpu.wait_indirect_dma semaphore(%arg8 : memref<!tpu.dma_semaphore, #tpu.memory_space<semaphore_mem>>) src(%dma_wait3A_10 : memref<1024x256xf32, #tpu.memory_space<hbm>>) dst(%arg6 : memref<96x256xf32, #tpu.memory_space<vmem>>)
    %dma_start3A_11 = arith.constant 96 : i32
    %dma_start3A_12 = tpu.memref_slice %arg5[%dma_start3A_11] : memref<576xi32, #tpu.memory_space<vmem>> -> memref<96xi32, #tpu.memory_space<vmem>>
    %dma_start3A_13 = arith.constant 0 : i32
    %dma_start3A_14 = arith.constant 0 : i32
    %dma_start3A_15 = tpu.memref_slice %arg2[%dma_start3A_13, %dma_start3A_14] : memref<1024x256xf32, #tpu.memory_space<hbm>> -> memref<1024x256xf32, #tpu.memory_space<hbm>>
    tpu.enqueue_indirect_dma source(%dma_start3A_15 : memref<1024x256xf32, #tpu.memory_space<hbm>>) target(%arg7 : memref<96x256xf32, #tpu.memory_space<vmem>>) offsets(%dma_start3A_12 : memref<96xi32, #tpu.memory_space<vmem>>) semaphore(%arg9 : memref<!tpu.dma_semaphore, #tpu.memory_space<semaphore_mem>>)
    %add3A_16 = arith.constant 0 : i32
    %add3A_17 = arith.addi %mul3A_2, %add3A_16 : i32
    "tpu.region"() ({
      %run_scoped3A = tpu.sem_alloc : memref<!tpu.dma_semaphore, #tpu.memory_space<semaphore_mem>>
      %dma_start3A_73 = arith.constant 0 : i32
      %dma_start3A_74 = tpu.memref_slice %arg4[%add3A_17, %dma_start3A_73] : memref<18432x256xf32, #tpu.memory_space<hbm>> -> memref<96x256xf32, #tpu.memory_space<hbm>>
      %dma_start3A_75 = arith.constant 0 : i32
      %dma_start3A_76 = tpu.memref_slice %arg4[%add3A_17, %dma_start3A_75] : memref<18432x256xf32, #tpu.memory_space<hbm>> -> memref<96x256xf32, #tpu.memory_space<hbm>>
      tpu.enqueue_dma source(%arg6 : memref<96x256xf32, #tpu.memory_space<vmem>>) target(%dma_start3A_76 : memref<96x256xf32, #tpu.memory_space<hbm>>) target_semaphore(%run_scoped3A : memref<!tpu.dma_semaphore, #tpu.memory_space<semaphore_mem>>)
      %dma_wait3A_77 = arith.constant 0 : i32
      %dma_wait3A_78 = tpu.memref_slice %arg4[%add3A_17, %dma_wait3A_77] : memref<18432x256xf32, #tpu.memory_space<hbm>> -> memref<96x256xf32, #tpu.memory_space<hbm>>
      %dma_wait3A_79 = arith.constant 0 : i32
      %dma_wait3A_80 = tpu.memref_slice %arg4[%add3A_17, %dma_wait3A_79] : memref<18432x256xf32, #tpu.memory_space<hbm>> -> memref<96x256xf32, #tpu.memory_space<hbm>>
      tpu.wait_dma2 semaphore(%run_scoped3A : memref<!tpu.dma_semaphore, #tpu.memory_space<semaphore_mem>>) src(%arg6 : memref<96x256xf32, #tpu.memory_space<vmem>>) dst(%dma_wait3A_80 : memref<96x256xf32, #tpu.memory_space<hbm>>)
      tpu.yield
    }) : () -> ()
    %dma_wait3A_18 = arith.constant 96 : i32
    %dma_wait3A_19 = tpu.memref_slice %arg5[%dma_wait3A_18] : memref<576xi32, #tpu.memory_space<vmem>> -> memref<96xi32, #tpu.memory_space<vmem>>
    %dma_wait3A_20 = arith.constant 0 : i32
    %dma_wait3A_21 = arith.constant 0 : i32
    %dma_wait3A_22 = tpu.memref_slice %arg2[%dma_wait3A_20, %dma_wait3A_21] : memref<1024x256xf32, #tpu.memory_space<hbm>> -> memref<1024x256xf32, #tpu.memory_space<hbm>>
    tpu.wait_indirect_dma semaphore(%arg9 : memref<!tpu.dma_semaphore, #tpu.memory_space<semaphore_mem>>) src(%dma_wait3A_22 : memref<1024x256xf32, #tpu.memory_space<hbm>>) dst(%arg7 : memref<96x256xf32, #tpu.memory_space<vmem>>)
    %dma_start3A_23 = arith.constant 192 : i32
    %dma_start3A_24 = tpu.memref_slice %arg5[%dma_start3A_23] : memref<576xi32, #tpu.memory_space<vmem>> -> memref<96xi32, #tpu.memory_space<vmem>>
    %dma_start3A_25 = arith.constant 0 : i32
    %dma_start3A_26 = arith.constant 0 : i32
    %dma_start3A_27 = tpu.memref_slice %arg2[%dma_start3A_25, %dma_start3A_26] : memref<1024x256xf32, #tpu.memory_space<hbm>> -> memref<1024x256xf32, #tpu.memory_space<hbm>>
    tpu.enqueue_indirect_dma source(%dma_start3A_27 : memref<1024x256xf32, #tpu.memory_space<hbm>>) target(%arg6 : memref<96x256xf32, #tpu.memory_space<vmem>>) offsets(%dma_start3A_24 : memref<96xi32, #tpu.memory_space<vmem>>) semaphore(%arg8 : memref<!tpu.dma_semaphore, #tpu.memory_space<semaphore_mem>>)
    %add3A_28 = arith.constant 96 : i32
    %add3A_29 = arith.addi %mul3A_2, %add3A_28 : i32
    "tpu.region"() ({
      %run_scoped3A = tpu.sem_alloc : memref<!tpu.dma_semaphore, #tpu.memory_space<semaphore_mem>>
      %dma_start3A_73 = arith.constant 0 : i32
      %dma_start3A_74 = tpu.memref_slice %arg4[%add3A_29, %dma_start3A_73] : memref<18432x256xf32, #tpu.memory_space<hbm>> -> memref<96x256xf32, #tpu.memory_space<hbm>>
      %dma_start3A_75 = arith.constant 0 : i32
      %dma_start3A_76 = tpu.memref_slice %arg4[%add3A_29, %dma_start3A_75] : memref<18432x256xf32, #tpu.memory_space<hbm>> -> memref<96x256xf32, #tpu.memory_space<hbm>>
      tpu.enqueue_dma source(%arg7 : memref<96x256xf32, #tpu.memory_space<vmem>>) target(%dma_start3A_76 : memref<96x256xf32, #tpu.memory_space<hbm>>) target_semaphore(%run_scoped3A : memref<!tpu.dma_semaphore, #tpu.memory_space<semaphore_mem>>)
      %dma_wait3A_77 = arith.constant 0 : i32
      %dma_wait3A_78 = tpu.memref_slice %arg4[%add3A_29, %dma_wait3A_77] : memref<18432x256xf32, #tpu.memory_space<hbm>> -> memref<96x256xf32, #tpu.memory_space<hbm>>
      %dma_wait3A_79 = arith.constant 0 : i32
      %dma_wait3A_80 = tpu.memref_slice %arg4[%add3A_29, %dma_wait3A_79] : memref<18432x256xf32, #tpu.memory_space<hbm>> -> memref<96x256xf32, #tpu.memory_space<hbm>>
      tpu.wait_dma2 semaphore(%run_scoped3A : memref<!tpu.dma_semaphore, #tpu.memory_space<semaphore_mem>>) src(%arg7 : memref<96x256xf32, #tpu.memory_space<vmem>>) dst(%dma_wait3A_80 : memref<96x256xf32, #tpu.memory_space<hbm>>)
      tpu.yield
    }) : () -> ()
    %dma_wait3A_30 = arith.constant 192 : i32
    %dma_wait3A_31 = tpu.memref_slice %arg5[%dma_wait3A_30] : memref<576xi32, #tpu.memory_space<vmem>> -> memref<96xi32, #tpu.memory_space<vmem>>
    %dma_wait3A_32 = arith.constant 0 : i32
    %dma_wait3A_33 = arith.constant 0 : i32
    %dma_wait3A_34 = tpu.memref_slice %arg2[%dma_wait3A_32, %dma_wait3A_33] : memref<1024x256xf32, #tpu.memory_space<hbm>> -> memref<1024x256xf32, #tpu.memory_space<hbm>>
    tpu.wait_indirect_dma semaphore(%arg8 : memref<!tpu.dma_semaphore, #tpu.memory_space<semaphore_mem>>) src(%dma_wait3A_34 : memref<1024x256xf32, #tpu.memory_space<hbm>>) dst(%arg6 : memref<96x256xf32, #tpu.memory_space<vmem>>)
    %dma_start3A_35 = arith.constant 288 : i32
    %dma_start3A_36 = tpu.memref_slice %arg5[%dma_start3A_35] : memref<576xi32, #tpu.memory_space<vmem>> -> memref<96xi32, #tpu.memory_space<vmem>>
    %dma_start3A_37 = arith.constant 0 : i32
    %dma_start3A_38 = arith.constant 0 : i32
    %dma_start3A_39 = tpu.memref_slice %arg2[%dma_start3A_37, %dma_start3A_38] : memref<1024x256xf32, #tpu.memory_space<hbm>> -> memref<1024x256xf32, #tpu.memory_space<hbm>>
    tpu.enqueue_indirect_dma source(%dma_start3A_39 : memref<1024x256xf32, #tpu.memory_space<hbm>>) target(%arg7 : memref<96x256xf32, #tpu.memory_space<vmem>>) offsets(%dma_start3A_36 : memref<96xi32, #tpu.memory_space<vmem>>) semaphore(%arg9 : memref<!tpu.dma_semaphore, #tpu.memory_space<semaphore_mem>>)
    %add3A_40 = arith.constant 192 : i32
    %add3A_41 = arith.addi %mul3A_2, %add3A_40 : i32
    "tpu.region"() ({
      %run_scoped3A = tpu.sem_alloc : memref<!tpu.dma_semaphore, #tpu.memory_space<semaphore_mem>>
      %dma_start3A_73 = arith.constant 0 : i32
      %dma_start3A_74 = tpu.memref_slice %arg4[%add3A_41, %dma_start3A_73] : memref<18432x256xf32, #tpu.memory_space<hbm>> -> memref<96x256xf32, #tpu.memory_space<hbm>>
      %dma_start3A_75 = arith.constant 0 : i32
      %dma_start3A_76 = tpu.memref_slice %arg4[%add3A_41, %dma_start3A_75] : memref<18432x256xf32, #tpu.memory_space<hbm>> -> memref<96x256xf32, #tpu.memory_space<hbm>>
      tpu.enqueue_dma source(%arg6 : memref<96x256xf32, #tpu.memory_space<vmem>>) target(%dma_start3A_76 : memref<96x256xf32, #tpu.memory_space<hbm>>) target_semaphore(%run_scoped3A : memref<!tpu.dma_semaphore, #tpu.memory_space<semaphore_mem>>)
      %dma_wait3A_77 = arith.constant 0 : i32
      %dma_wait3A_78 = tpu.memref_slice %arg4[%add3A_41, %dma_wait3A_77] : memref<18432x256xf32, #tpu.memory_space<hbm>> -> memref<96x256xf32, #tpu.memory_space<hbm>>
      %dma_wait3A_79 = arith.constant 0 : i32
      %dma_wait3A_80 = tpu.memref_slice %arg4[%add3A_41, %dma_wait3A_79] : memref<18432x256xf32, #tpu.memory_space<hbm>> -> memref<96x256xf32, #tpu.memory_space<hbm>>
      tpu.wait_dma2 semaphore(%run_scoped3A : memref<!tpu.dma_semaphore, #tpu.memory_space<semaphore_mem>>) src(%arg6 : memref<96x256xf32, #tpu.memory_space<vmem>>) dst(%dma_wait3A_80 : memref<96x256xf32, #tpu.memory_space<hbm>>)
      tpu.yield
    }) : () -> ()
    %dma_wait3A_42 = arith.constant 288 : i32
    %dma_wait3A_43 = tpu.memref_slice %arg5[%dma_wait3A_42] : memref<576xi32, #tpu.memory_space<vmem>> -> memref<96xi32, #tpu.memory_space<vmem>>
    %dma_wait3A_44 = arith.constant 0 : i32
    %dma_wait3A_45 = arith.constant 0 : i32
    %dma_wait3A_46 = tpu.memref_slice %arg2[%dma_wait3A_44, %dma_wait3A_45] : memref<1024x256xf32, #tpu.memory_space<hbm>> -> memref<1024x256xf32, #tpu.memory_space<hbm>>
    tpu.wait_indirect_dma semaphore(%arg9 : memref<!tpu.dma_semaphore, #tpu.memory_space<semaphore_mem>>) src(%dma_wait3A_46 : memref<1024x256xf32, #tpu.memory_space<hbm>>) dst(%arg7 : memref<96x256xf32, #tpu.memory_space<vmem>>)
    %dma_start3A_47 = arith.constant 384 : i32
    %dma_start3A_48 = tpu.memref_slice %arg5[%dma_start3A_47] : memref<576xi32, #tpu.memory_space<vmem>> -> memref<96xi32, #tpu.memory_space<vmem>>
    %dma_start3A_49 = arith.constant 0 : i32
    %dma_start3A_50 = arith.constant 0 : i32
    %dma_start3A_51 = tpu.memref_slice %arg2[%dma_start3A_49, %dma_start3A_50] : memref<1024x256xf32, #tpu.memory_space<hbm>> -> memref<1024x256xf32, #tpu.memory_space<hbm>>
    tpu.enqueue_indirect_dma source(%dma_start3A_51 : memref<1024x256xf32, #tpu.memory_space<hbm>>) target(%arg6 : memref<96x256xf32, #tpu.memory_space<vmem>>) offsets(%dma_start3A_48 : memref<96xi32, #tpu.memory_space<vmem>>) semaphore(%arg8 : memref<!tpu.dma_semaphore, #tpu.memory_space<semaphore_mem>>)
    %add3A_52 = arith.constant 288 : i32
    %add3A_53 = arith.addi %mul3A_2, %add3A_52 : i32
    "tpu.region"() ({
      %run_scoped3A = tpu.sem_alloc : memref<!tpu.dma_semaphore, #tpu.memory_space<semaphore_mem>>
      %dma_start3A_73 = arith.constant 0 : i32
      %dma_start3A_74 = tpu.memref_slice %arg4[%add3A_53, %dma_start3A_73] : memref<18432x256xf32, #tpu.memory_space<hbm>> -> memref<96x256xf32, #tpu.memory_space<hbm>>
      %dma_start3A_75 = arith.constant 0 : i32
      %dma_start3A_76 = tpu.memref_slice %arg4[%add3A_53, %dma_start3A_75] : memref<18432x256xf32, #tpu.memory_space<hbm>> -> memref<96x256xf32, #tpu.memory_space<hbm>>
      tpu.enqueue_dma source(%arg7 : memref<96x256xf32, #tpu.memory_space<vmem>>) target(%dma_start3A_76 : memref<96x256xf32, #tpu.memory_space<hbm>>) target_semaphore(%run_scoped3A : memref<!tpu.dma_semaphore, #tpu.memory_space<semaphore_mem>>)
      %dma_wait3A_77 = arith.constant 0 : i32
      %dma_wait3A_78 = tpu.memref_slice %arg4[%add3A_53, %dma_wait3A_77] : memref<18432x256xf32, #tpu.memory_space<hbm>> -> memref<96x256xf32, #tpu.memory_space<hbm>>
      %dma_wait3A_79 = arith.constant 0 : i32
      %dma_wait3A_80 = tpu.memref_slice %arg4[%add3A_53, %dma_wait3A_79] : memref<18432x256xf32, #tpu.memory_space<hbm>> -> memref<96x256xf32, #tpu.memory_space<hbm>>
      tpu.wait_dma2 semaphore(%run_scoped3A : memref<!tpu.dma_semaphore, #tpu.memory_space<semaphore_mem>>) src(%arg7 : memref<96x256xf32, #tpu.memory_space<vmem>>) dst(%dma_wait3A_80 : memref<96x256xf32, #tpu.memory_space<hbm>>)
      tpu.yield
    }) : () -> ()
    %dma_wait3A_54 = arith.constant 384 : i32
    %dma_wait3A_55 = tpu.memref_slice %arg5[%dma_wait3A_54] : memref<576xi32, #tpu.memory_space<vmem>> -> memref<96xi32, #tpu.memory_space<vmem>>
    %dma_wait3A_56 = arith.constant 0 : i32
    %dma_wait3A_57 = arith.constant 0 : i32
    %dma_wait3A_58 = tpu.memref_slice %arg2[%dma_wait3A_56, %dma_wait3A_57] : memref<1024x256xf32, #tpu.memory_space<hbm>> -> memref<1024x256xf32, #tpu.memory_space<hbm>>
    tpu.wait_indirect_dma semaphore(%arg8 : memref<!tpu.dma_semaphore, #tpu.memory_space<semaphore_mem>>) src(%dma_wait3A_58 : memref<1024x256xf32, #tpu.memory_space<hbm>>) dst(%arg6 : memref<96x256xf32, #tpu.memory_space<vmem>>)
    %dma_start3A_59 = arith.constant 480 : i32
    %dma_start3A_60 = tpu.memref_slice %arg5[%dma_start3A_59] : memref<576xi32, #tpu.memory_space<vmem>> -> memref<96xi32, #tpu.memory_space<vmem>>
    %dma_start3A_61 = arith.constant 0 : i32
    %dma_start3A_62 = arith.constant 0 : i32
    %dma_start3A_63 = tpu.memref_slice %arg2[%dma_start3A_61, %dma_start3A_62] : memref<1024x256xf32, #tpu.memory_space<hbm>> -> memref<1024x256xf32, #tpu.memory_space<hbm>>
    tpu.enqueue_indirect_dma source(%dma_start3A_63 : memref<1024x256xf32, #tpu.memory_space<hbm>>) target(%arg7 : memref<96x256xf32, #tpu.memory_space<vmem>>) offsets(%dma_start3A_60 : memref<96xi32, #tpu.memory_space<vmem>>) semaphore(%arg9 : memref<!tpu.dma_semaphore, #tpu.memory_space<semaphore_mem>>)
    %add3A_64 = arith.constant 384 : i32
    %add3A_65 = arith.addi %mul3A_2, %add3A_64 : i32
    "tpu.region"() ({
      %run_scoped3A = tpu.sem_alloc : memref<!tpu.dma_semaphore, #tpu.memory_space<semaphore_mem>>
      %dma_start3A_73 = arith.constant 0 : i32
      %dma_start3A_74 = tpu.memref_slice %arg4[%add3A_65, %dma_start3A_73] : memref<18432x256xf32, #tpu.memory_space<hbm>> -> memref<96x256xf32, #tpu.memory_space<hbm>>
      %dma_start3A_75 = arith.constant 0 : i32
      %dma_start3A_76 = tpu.memref_slice %arg4[%add3A_65, %dma_start3A_75] : memref<18432x256xf32, #tpu.memory_space<hbm>> -> memref<96x256xf32, #tpu.memory_space<hbm>>
      tpu.enqueue_dma source(%arg6 : memref<96x256xf32, #tpu.memory_space<vmem>>) target(%dma_start3A_76 : memref<96x256xf32, #tpu.memory_space<hbm>>) target_semaphore(%run_scoped3A : memref<!tpu.dma_semaphore, #tpu.memory_space<semaphore_mem>>)
      %dma_wait3A_77 = arith.constant 0 : i32
      %dma_wait3A_78 = tpu.memref_slice %arg4[%add3A_65, %dma_wait3A_77] : memref<18432x256xf32, #tpu.memory_space<hbm>> -> memref<96x256xf32, #tpu.memory_space<hbm>>
      %dma_wait3A_79 = arith.constant 0 : i32
      %dma_wait3A_80 = tpu.memref_slice %arg4[%add3A_65, %dma_wait3A_79] : memref<18432x256xf32, #tpu.memory_space<hbm>> -> memref<96x256xf32, #tpu.memory_space<hbm>>
      tpu.wait_dma2 semaphore(%run_scoped3A : memref<!tpu.dma_semaphore, #tpu.memory_space<semaphore_mem>>) src(%arg6 : memref<96x256xf32, #tpu.memory_space<vmem>>) dst(%dma_wait3A_80 : memref<96x256xf32, #tpu.memory_space<hbm>>)
      tpu.yield
    }) : () -> ()
    %dma_wait3A_66 = arith.constant 480 : i32
    %dma_wait3A_67 = tpu.memref_slice %arg5[%dma_wait3A_66] : memref<576xi32, #tpu.memory_space<vmem>> -> memref<96xi32, #tpu.memory_space<vmem>>
    %dma_wait3A_68 = arith.constant 0 : i32
    %dma_wait3A_69 = arith.constant 0 : i32
    %dma_wait3A_70 = tpu.memref_slice %arg2[%dma_wait3A_68, %dma_wait3A_69] : memref<1024x256xf32, #tpu.memory_space<hbm>> -> memref<1024x256xf32, #tpu.memory_space<hbm>>
    tpu.wait_indirect_dma semaphore(%arg9 : memref<!tpu.dma_semaphore, #tpu.memory_space<semaphore_mem>>) src(%dma_wait3A_70 : memref<1024x256xf32, #tpu.memory_space<hbm>>) dst(%arg7 : memref<96x256xf32, #tpu.memory_space<vmem>>)
    %add3A_71 = arith.constant 480 : i32
    %add3A_72 = arith.addi %mul3A_2, %add3A_71 : i32
    "tpu.region"() ({
      %run_scoped3A = tpu.sem_alloc : memref<!tpu.dma_semaphore, #tpu.memory_space<semaphore_mem>>
      %dma_start3A_73 = arith.constant 0 : i32
      %dma_start3A_74 = tpu.memref_slice %arg4[%add3A_72, %dma_start3A_73] : memref<18432x256xf32, #tpu.memory_space<hbm>> -> memref<96x256xf32, #tpu.memory_space<hbm>>
      %dma_start3A_75 = arith.constant 0 : i32
      %dma_start3A_76 = tpu.memref_slice %arg4[%add3A_72, %dma_start3A_75] : memref<18432x256xf32, #tpu.memory_space<hbm>> -> memref<96x256xf32, #tpu.memory_space<hbm>>
      tpu.enqueue_dma source(%arg7 : memref<96x256xf32, #tpu.memory_space<vmem>>) target(%dma_start3A_76 : memref<96x256xf32, #tpu.memory_space<hbm>>) target_semaphore(%run_scoped3A : memref<!tpu.dma_semaphore, #tpu.memory_space<semaphore_mem>>)
      %dma_wait3A_77 = arith.constant 0 : i32
      %dma_wait3A_78 = tpu.memref_slice %arg4[%add3A_72, %dma_wait3A_77] : memref<18432x256xf32, #tpu.memory_space<hbm>> -> memref<96x256xf32, #tpu.memory_space<hbm>>
      %dma_wait3A_79 = arith.constant 0 : i32
      %dma_wait3A_80 = tpu.memref_slice %arg4[%add3A_72, %dma_wait3A_79] : memref<18432x256xf32, #tpu.memory_space<hbm>> -> memref<96x256xf32, #tpu.memory_space<hbm>>
      tpu.wait_dma2 semaphore(%run_scoped3A : memref<!tpu.dma_semaphore, #tpu.memory_space<semaphore_mem>>) src(%arg7 : memref<96x256xf32, #tpu.memory_space<vmem>>) dst(%dma_wait3A_80 : memref<96x256xf32, #tpu.memory_space<hbm>>)
      tpu.yield
    }) : () -> ()
    return
  }
}

module attributes {stable_mosaic.version = 14 : i64} {
  func.func @_vq_kernel(%arg0: i32, %arg1: memref<3072x256xf32, #tpu.memory_space<vmem>>, %arg2: memref<1x1024xf32, #tpu.memory_space<vmem>>, %arg3: memref<256x1024xbf16, #tpu.memory_space<vmem>>, %arg4: memref<3072x1xi32, #tpu.memory_space<vmem>>, %arg5: memref<1x1xf32, #tpu.memory_space<vmem>>, %arg6: memref<1x1xf32, #tpu.memory_space<vmem>>, %arg7: memref<1x1024xf32, #tpu.memory_space<vmem>>, %arg8: memref<1x1024xf32, #tpu.memory_space<vmem>>) attributes {dimension_semantics = [#tpu.dimension_semantics<arbitrary>], iteration_bounds = array<i64: 6>, scalar_prefetch = 0 : i64, scratch_operands = 2 : i64, tpu.core_type = #tpu.core_type<tc>, window_params = [{transform_indices = @transform_0, window_bounds = array<i64: 3072, 256>}, {pipeline_mode = #tpu.pipeline_mode<synchronous>, transform_indices = @transform_1, window_bounds = array<i64: 1, 1024>}, {pipeline_mode = #tpu.pipeline_mode<synchronous>, transform_indices = @transform_2, window_bounds = array<i64: 256, 1024>}, {transform_indices = @transform_3, window_bounds = array<i64: 3072, 1>}, {pipeline_mode = #tpu.pipeline_mode<synchronous>, transform_indices = @transform_4, window_bounds = array<i64: 1, 1>}, {pipeline_mode = #tpu.pipeline_mode<synchronous>, transform_indices = @transform_5, window_bounds = array<i64: 1, 1>}]} {
    %eq3A = arith.constant 0 : i32
    %eq3A_0 = arith.cmpi eq, %arg0, %eq3A : i32
    %convert_element_type3A = arith.extui %eq3A_0 : i1 to i32
    %cond3A = arith.constant 0 : i32
    %cond3A_1 = arith.cmpi ne, %convert_element_type3A, %cond3A : i32
    scf.if %cond3A_1 {
      %broadcast_in_dim3A_78 = arith.constant 0.000000e+00 : f32
      %broadcast_in_dim3A_79 = vector.broadcast %broadcast_in_dim3A_78 : f32 to vector<1x1024xf32>
      %swap3A_80 = arith.constant 0 : index
      %swap3A_81 = arith.constant 0 : index
      %swap3A_82 = vector.load %arg7[%swap3A_80, %swap3A_81] : memref<1x1024xf32, #tpu.memory_space<vmem>>, vector<1x1024xf32>
      tpu.vector_store %arg7[%swap3A_80, %swap3A_81], %broadcast_in_dim3A_79 {strides = array<i32>} : memref<1x1024xf32, #tpu.memory_space<vmem>>, vector<1x1024xf32>,
      %broadcast_in_dim3A_83 = arith.constant 0.000000e+00 : f32
      %broadcast_in_dim3A_84 = vector.broadcast %broadcast_in_dim3A_83 : f32 to vector<1x1024xf32>
      %swap3A_85 = arith.constant 0 : index
      %swap3A_86 = arith.constant 0 : index
      %swap3A_87 = vector.load %arg8[%swap3A_85, %swap3A_86] : memref<1x1024xf32, #tpu.memory_space<vmem>>, vector<1x1024xf32>
      tpu.vector_store %arg8[%swap3A_85, %swap3A_86], %broadcast_in_dim3A_84 {strides = array<i32>} : memref<1x1024xf32, #tpu.memory_space<vmem>>, vector<1x1024xf32>,
    } else {
    }
    %get3A = arith.constant 0 : index
    %get3A_2 = arith.constant 0 : index
    %get3A_3 = vector.load %arg1[%get3A, %get3A_2] : memref<3072x256xf32, #tpu.memory_space<vmem>>, vector<3072x256xf32>
    %mul3A = arith.mulf %get3A_3, %get3A_3 : vector<3072x256xf32>
    %reduce_sum3A = arith.constant dense<0.000000e+00> : vector<3072xf32>
    %reduce_sum3A_4 = vector.multi_reduction <add>, %mul3A, %reduce_sum3A [1] : vector<3072x256xf32> to vector<3072xf32>
    %broadcast_in_dim3A = vector.shape_cast %reduce_sum3A_4 : vector<3072xf32> to vector<3072x1xf32>
    %convert_element_type3A_5 = arith.truncf %get3A_3 : vector<3072x256xf32> to vector<3072x256xbf16>
    %get3A_6 = arith.constant 0 : index
    %get3A_7 = arith.constant 0 : index
    %get3A_8 = vector.load %arg3[%get3A_6, %get3A_7] : memref<256x1024xbf16, #tpu.memory_space<vmem>>, vector<256x1024xbf16>
    %dot_general3A = arith.constant dense<0.000000e+00> : vector<3072x1024xf32>
    %dot_general3A_9 = tpu.matmul %convert_element_type3A_5, %get3A_8, %dot_general3A {dimension_numbers = #tpu.dot_dimension_numbers<[1], [0], [0], [1], [0, 0, 1, 1], [], []>, transpose_lhs_hint = false} : vector<3072x256xbf16>, vector<256x1024xbf16>, vector<3072x1024xf32> -> vector<3072x1024xf32>
    %get3A_10 = arith.constant 0 : index
    %get3A_11 = arith.constant 0 : index
    %get3A_12 = vector.load %arg2[%get3A_10, %get3A_11] : memref<1x1024xf32, #tpu.memory_space<vmem>>, vector<1x1024xf32>
    %add3A = vector.broadcast %get3A_12 : vector<1x1024xf32> to vector<3072x1024xf32>
    %add3A_13 = vector.broadcast %broadcast_in_dim3A : vector<3072x1xf32> to vector<3072x1024xf32>
    %add3A_14 = arith.addf %add3A, %add3A_13 : vector<3072x1024xf32>
    %sub3A = arith.subf %dot_general3A_9, %add3A_14 : vector<3072x1024xf32>
    %reduce_max3A = arith.constant dense<0xFF800000> : vector<3072xf32>
    %reduce_max3A_15 = vector.multi_reduction <maximumf>, %sub3A, %reduce_max3A [1] : vector<3072x1024xf32> to vector<3072xf32>
    %broadcast_in_dim3A_16 = vector.shape_cast %reduce_max3A_15 : vector<3072xf32> to vector<3072x1xf32>
    %iota3A = tpu.iota {dimensions = array<i32: 1>} : vector<1x1024xi32>
    %sub3A_17 = arith.constant 1024 : i32
    %sub3A_18 = vector.broadcast %sub3A_17 : i32 to vector<1x1024xi32>
    %sub3A_19 = arith.subi %sub3A_18, %iota3A : vector<1x1024xi32>
    %convert_element_type3A_20 = arith.sitofp %sub3A_19 : vector<1x1024xi32> to vector<1x1024xf32>
    %eq3A_21 = vector.broadcast %broadcast_in_dim3A_16 : vector<3072x1xf32> to vector<3072x1024xf32>
    %eq3A_22 = arith.cmpf oeq, %sub3A, %eq3A_21 : vector<3072x1024xf32>
    %jit3A = arith.constant 0.000000e+00 : f32
    %broadcast_in_dim3A_23 = vector.shape_cast %convert_element_type3A_20 : vector<1x1024xf32> to vector<1x1024xf32>
    %broadcast_in_dim3A_24 = vector.broadcast %broadcast_in_dim3A_23 : vector<1x1024xf32> to vector<3072x1024xf32>
    %broadcast_in_dim3A_25 = vector.broadcast %jit3A : f32 to vector<3072x1024xf32>
    %select_n3A = arith.select %eq3A_22, %broadcast_in_dim3A_24, %broadcast_in_dim3A_25 : vector<3072x1024xi1>, vector<3072x1024xf32>
    %reduce_max3A_26 = arith.constant dense<0xFF800000> : vector<3072xf32>
    %reduce_max3A_27 = vector.multi_reduction <maximumf>, %select_n3A, %reduce_max3A_26 [1] : vector<3072x1024xf32> to vector<3072xf32>
    %broadcast_in_dim3A_28 = vector.shape_cast %reduce_max3A_27 : vector<3072xf32> to vector<3072x1xf32>
    %sub3A_29 = arith.constant 1.024000e+03 : f32
    %sub3A_30 = vector.broadcast %sub3A_29 : f32 to vector<3072x1xf32>
    %sub3A_31 = arith.subf %sub3A_30, %broadcast_in_dim3A_28 : vector<3072x1xf32>
    %convert_element_type3A_32 = arith.fptosi %sub3A_31 : vector<3072x1xf32> to vector<3072x1xi32>
    %swap3A = arith.constant 0 : index
    %swap3A_33 = arith.constant 0 : index
    %swap3A_34 = vector.load %arg4[%swap3A, %swap3A_33] : memref<3072x1xi32, #tpu.memory_space<vmem>>, vector<3072x1xi32>
    tpu.vector_store %arg4[%swap3A, %swap3A_33], %convert_element_type3A_32 {strides = array<i32>} : memref<3072x1xi32, #tpu.memory_space<vmem>>, vector<3072x1xi32>,
    %sub3A_35 = vector.broadcast %broadcast_in_dim3A_16 : vector<3072x1xf32> to vector<3072x1024xf32>
    %sub3A_36 = arith.subf %sub3A, %sub3A_35 : vector<3072x1024xf32>
    %exp3A = math.exp %sub3A_36 : vector<3072x1024xf32>
    %reduce_sum3A_37 = arith.constant dense<0.000000e+00> : vector<3072xf32>
    %reduce_sum3A_38 = vector.multi_reduction <add>, %exp3A, %reduce_sum3A_37 [1] : vector<3072x1024xf32> to vector<3072xf32>
    %broadcast_in_dim3A_39 = vector.shape_cast %reduce_sum3A_38 : vector<3072xf32> to vector<3072x1xf32>
    %div3A = arith.constant 1.000000e+00 : f32
    %div3A_40 = vector.broadcast %div3A : f32 to vector<3072x1xf32>
    %div3A_41 = arith.divf %div3A_40, %broadcast_in_dim3A_39 : vector<3072x1xf32>
    %broadcast_in_dim3A_42 = arith.constant 1.000000e+00 : bf16
    %broadcast_in_dim3A_43 = vector.broadcast %broadcast_in_dim3A_42 : bf16 to vector<1x3072xbf16>
    %mul3A_44 = vector.broadcast %div3A_41 : vector<3072x1xf32> to vector<3072x1024xf32>
    %mul3A_45 = arith.mulf %exp3A, %mul3A_44 : vector<3072x1024xf32>
    %convert_element_type3A_46 = arith.truncf %mul3A_45 : vector<3072x1024xf32> to vector<3072x1024xbf16>
    %get3A_47 = arith.constant 0 : index
    %get3A_48 = arith.constant 0 : index
    %get3A_49 = vector.load %arg7[%get3A_47, %get3A_48] : memref<1x1024xf32, #tpu.memory_space<vmem>>, vector<1x1024xf32>
    %dot_general3A_50 = arith.constant dense<0.000000e+00> : vector<1x1024xf32>
    %dot_general3A_51 = tpu.matmul %broadcast_in_dim3A_43, %convert_element_type3A_46, %dot_general3A_50 {dimension_numbers = #tpu.dot_dimension_numbers<[1], [0], [0], [1], [0, 0, 1, 1], [], []>, transpose_lhs_hint = false} : vector<1x3072xbf16>, vector<3072x1024xbf16>, vector<1x1024xf32> -> vector<1x1024xf32>
    %add3A_52 = arith.addf %get3A_49, %dot_general3A_51 : vector<1x1024xf32>
    %swap3A_53 = arith.constant 0 : index
    %swap3A_54 = arith.constant 0 : index
    %swap3A_55 = vector.load %arg7[%swap3A_53, %swap3A_54] : memref<1x1024xf32, #tpu.memory_space<vmem>>, vector<1x1024xf32>
    tpu.vector_store %arg7[%swap3A_53, %swap3A_54], %add3A_52 {strides = array<i32>} : memref<1x1024xf32, #tpu.memory_space<vmem>>, vector<1x1024xf32>,
    %eq3A_56 = vector.broadcast %broadcast_in_dim3A_28 : vector<3072x1xf32> to vector<3072x1024xf32>
    %eq3A_57 = arith.cmpf oeq, %select_n3A, %eq3A_56 : vector<3072x1024xf32>
    %jit3A_58 = arith.constant 1.000000e+00 : f32
    %jit3A_59 = arith.constant 0.000000e+00 : f32
    %broadcast_in_dim3A_60 = vector.broadcast %jit3A_58 : f32 to vector<3072x1024xf32>
    %broadcast_in_dim3A_61 = vector.broadcast %jit3A_59 : f32 to vector<3072x1024xf32>
    %select_n3A_62 = arith.select %eq3A_57, %broadcast_in_dim3A_60, %broadcast_in_dim3A_61 : vector<3072x1024xi1>, vector<3072x1024xf32>
    %convert_element_type3A_63 = arith.truncf %select_n3A_62 : vector<3072x1024xf32> to vector<3072x1024xbf16>
    %get3A_64 = arith.constant 0 : index
    %get3A_65 = arith.constant 0 : index
    %get3A_66 = vector.load %arg8[%get3A_64, %get3A_65] : memref<1x1024xf32, #tpu.memory_space<vmem>>, vector<1x1024xf32>
    %dot_general3A_67 = arith.constant dense<0.000000e+00> : vector<1x1024xf32>
    %dot_general3A_68 = tpu.matmul %broadcast_in_dim3A_43, %convert_element_type3A_63, %dot_general3A_67 {dimension_numbers = #tpu.dot_dimension_numbers<[1], [0], [0], [1], [0, 0, 1, 1], [], []>, transpose_lhs_hint = false} : vector<1x3072xbf16>, vector<3072x1024xbf16>, vector<1x1024xf32> -> vector<1x1024xf32>
    %add3A_69 = arith.addf %get3A_66, %dot_general3A_68 : vector<1x1024xf32>
    %swap3A_70 = arith.constant 0 : index
    %swap3A_71 = arith.constant 0 : index
    %swap3A_72 = vector.load %arg8[%swap3A_70, %swap3A_71] : memref<1x1024xf32, #tpu.memory_space<vmem>>, vector<1x1024xf32>
    tpu.vector_store %arg8[%swap3A_70, %swap3A_71], %add3A_69 {strides = array<i32>} : memref<1x1024xf32, #tpu.memory_space<vmem>>, vector<1x1024xf32>,
    %eq3A_73 = arith.constant 5 : i32
    %eq3A_74 = arith.cmpi eq, %arg0, %eq3A_73 : i32
    %convert_element_type3A_75 = arith.extui %eq3A_74 : i1 to i32
    %cond3A_76 = arith.constant 0 : i32
    %cond3A_77 = arith.cmpi ne, %convert_element_type3A_75, %cond3A_76 : i32
    scf.if %cond3A_77 {
      %get3A_78 = arith.constant 0 : index
      %get3A_79 = arith.constant 0 : index
      %get3A_80 = vector.load %arg8[%get3A_78, %get3A_79] : memref<1x1024xf32, #tpu.memory_space<vmem>>, vector<1x1024xf32>
      %mul3A_81 = arith.constant 5.42534726E-5 : f32
      %mul3A_82 = vector.broadcast %mul3A_81 : f32 to vector<1x1024xf32>
      %mul3A_83 = arith.mulf %get3A_80, %mul3A_82 : vector<1x1024xf32>
      %add3A_84 = arith.constant 1.000000e-10 : f32
      %add3A_85 = vector.broadcast %add3A_84 : f32 to vector<1x1024xf32>
      %add3A_86 = arith.addf %mul3A_83, %add3A_85 : vector<1x1024xf32>
      %log3A = math.log %add3A_86 : vector<1x1024xf32>
      %log3A_87 = arith.constant 2.000000e+00 : f32
      %log3A_88 = math.log %log3A_87 : f32
      %div3A_89 = vector.broadcast %log3A_88 : f32 to vector<1x1024xf32>
      %div3A_90 = arith.divf %log3A, %div3A_89 : vector<1x1024xf32>
      %mul3A_91 = arith.mulf %mul3A_83, %div3A_90 : vector<1x1024xf32>
      %reduce_sum3A_92 = arith.constant dense<0.000000e+00> : vector<1xf32>
      %reduce_sum3A_93 = vector.multi_reduction <add>, %mul3A_91, %reduce_sum3A_92 [1] : vector<1x1024xf32> to vector<1xf32>
      %broadcast_in_dim3A_94 = vector.shape_cast %reduce_sum3A_93 : vector<1xf32> to vector<1x1xf32>
      %neg3A = arith.constant 0.000000e+00 : f32
      %neg3A_95 = vector.broadcast %neg3A : f32 to vector<1x1xf32>
      %neg3A_96 = arith.subf %neg3A_95, %broadcast_in_dim3A_94 : vector<1x1xf32>
      %swap3A_97 = arith.constant 0 : index
      %swap3A_98 = arith.constant 0 : index
      %swap3A_99 = vector.load %arg5[%swap3A_97, %swap3A_98] : memref<1x1xf32, #tpu.memory_space<vmem>>, vector<1x1xf32>
      tpu.vector_store %arg5[%swap3A_97, %swap3A_98], %neg3A_96 {strides = array<i32>} : memref<1x1xf32, #tpu.memory_space<vmem>>, vector<1x1xf32>,
      %get3A_100 = arith.constant 0 : index
      %get3A_101 = arith.constant 0 : index
      %get3A_102 = vector.load %arg7[%get3A_100, %get3A_101] : memref<1x1024xf32, #tpu.memory_space<vmem>>, vector<1x1024xf32>
      %mul3A_103 = arith.constant 5.42534726E-5 : f32
      %mul3A_104 = vector.broadcast %mul3A_103 : f32 to vector<1x1024xf32>
      %mul3A_105 = arith.mulf %get3A_102, %mul3A_104 : vector<1x1024xf32>
      %add3A_106 = arith.constant 1.000000e-10 : f32
      %add3A_107 = vector.broadcast %add3A_106 : f32 to vector<1x1024xf32>
      %add3A_108 = arith.addf %mul3A_105, %add3A_107 : vector<1x1024xf32>
      %log3A_109 = math.log %add3A_108 : vector<1x1024xf32>
      %log3A_110 = arith.constant 2.000000e+00 : f32
      %log3A_111 = math.log %log3A_110 : f32
      %div3A_112 = vector.broadcast %log3A_111 : f32 to vector<1x1024xf32>
      %div3A_113 = arith.divf %log3A_109, %div3A_112 : vector<1x1024xf32>
      %mul3A_114 = arith.mulf %mul3A_105, %div3A_113 : vector<1x1024xf32>
      %reduce_sum3A_115 = arith.constant dense<0.000000e+00> : vector<1xf32>
      %reduce_sum3A_116 = vector.multi_reduction <add>, %mul3A_114, %reduce_sum3A_115 [1] : vector<1x1024xf32> to vector<1xf32>
      %broadcast_in_dim3A_117 = vector.shape_cast %reduce_sum3A_116 : vector<1xf32> to vector<1x1xf32>
      %neg3A_118 = arith.constant 0.000000e+00 : f32
      %neg3A_119 = vector.broadcast %neg3A_118 : f32 to vector<1x1xf32>
      %neg3A_120 = arith.subf %neg3A_119, %broadcast_in_dim3A_117 : vector<1x1xf32>
      %swap3A_121 = arith.constant 0 : index
      %swap3A_122 = arith.constant 0 : index
      %swap3A_123 = vector.load %arg6[%swap3A_121, %swap3A_122] : memref<1x1xf32, #tpu.memory_space<vmem>>, vector<1x1xf32>
      tpu.vector_store %arg6[%swap3A_121, %swap3A_122], %neg3A_120 {strides = array<i32>} : memref<1x1xf32, #tpu.memory_space<vmem>>, vector<1x1xf32>,
    } else {
    }
    return
  }
  func.func @transform_0(%arg0: i32) -> (i32, i32) {
    %c0_i32 = arith.constant 0 : i32
    %c0_i32_0 = arith.constant 0 : i32
    return %arg0, %c0_i32 : i32, i32
  }
  func.func @transform_1(%arg0: i32) -> (i32, i32) {
    %c0_i32 = arith.constant 0 : i32
    %c0_i32_0 = arith.constant 0 : i32
    %c0_i32_1 = arith.constant 0 : i32
    return %c0_i32, %c0_i32_0 : i32, i32
  }
  func.func @transform_2(%arg0: i32) -> (i32, i32) {
    %c0_i32 = arith.constant 0 : i32
    %c0_i32_0 = arith.constant 0 : i32
    %c0_i32_1 = arith.constant 0 : i32
    return %c0_i32, %c0_i32_0 : i32, i32
  }
  func.func @transform_3(%arg0: i32) -> (i32, i32) {
    %c0_i32 = arith.constant 0 : i32
    %c0_i32_0 = arith.constant 0 : i32
    return %arg0, %c0_i32 : i32, i32
  }
  func.func @transform_4(%arg0: i32) -> (i32, i32) {
    %c0_i32 = arith.constant 0 : i32
    %c0_i32_0 = arith.constant 0 : i32
    %c0_i32_1 = arith.constant 0 : i32
    return %c0_i32, %c0_i32_0 : i32, i32
  }
  func.func @transform_5(%arg0: i32) -> (i32, i32) {
    %c0_i32 = arith.constant 0 : i32
    %c0_i32_0 = arith.constant 0 : i32
    %c0_i32_1 = arith.constant 0 : i32
    return %c0_i32, %c0_i32_0 : i32, i32
  }
}

</mosaic_0001>

<sc_bundles>
// kernel: kernel.4.cloned.1.call-start
scs
__scs_entry_jumppad:
0x0: {  	(pc) =	sbr.rel $0x88, $3  }
0x1: {  	(tag) =	ssettag $0x0;
	lr =	simm.s32 $0x1  }
0x2: {  	[smem:$0x3F9F] =	sst lr;
	_ =	strace $0xD0000000  }
0x3: {  	_ = 	snop  }
0x4: {  	_ = 	snop  }
0x5: {  	_ = 	snop  }
0x6: {  	_ = 	snop  }
0x7: {  	_ = 	snop  }
__scs_overlays_trampoline_lowered:
0x8: {  	[smem:$0x3FAE] =	sst s0  }
0x9: {  	[smem:$0x3FAF] =	sst s1  }
0xa: {  	[smem:$0x3FB0] =	sst s2  }
0xb: {  	[smem:$0x3FB1] =	sst s3  }
0xc: {  	[smem:$0x3FB2] =	sst s4  }
0xd: {  	[smem:$0x3FB3] =	sst s5  }
0xe: {  	[smem:$0x3FB4] =	sst s6  }
0xf: {  	[smem:$0x3FB5] =	sst s7  }
0x10: {  	[smem:$0x3FB6] =	sst s8  }
0x11: {  	[smem:$0x3FB7] =	sst s9;
	s0 =	simm.s32 @!p0 $0x0  }
0x12: {  	s1 =	sld [smem:$0x3F9D];
	s0 =	simm.s32 @p0 $0x1  }
0x13: {  	[smem:$0x3FB8] =	sst s0;
	s0 =	simm.s32 @!p1 $0x0  }
0x14: {  	s2 =	sld [smem:$0x3F9C];
	s0 =	simm.s32 @p1 $0x1  }
0x15: {  	[smem:$0x3FB9] =	sst s0;
	s0 =	simm.s32 @!p2 $0x0  }
0x16: {  	s3 =	sld [smem:$0x3FDB];
	s0 =	simm.s32 @p2 $0x1  }
0x17: {  	s4 =	simm.s32 $0x1BF5;
	[smem:$0x3FBB] =	sst s0  }
0x18: {  	s0 =	sld [smem:$0x3F9E];
	_ =	swait.ge [sflag:s4], $0x0  }
0x19: {  	s7 =	sld [smem:$0x3F9F]  }
0x1a: {  	s8 =	sadd.s32 $0xFFFFE003, lr  }
0x1b: {  	s9 =	sadd.s32 $0xFFFFFEF7, lr;
	s5 =	simm.s32 $0xFFFFFFFF;
	p2 =	slt.u32 s8, $0xFFFFF086  }
0x1c: {  	p1 =	slt.u32 s9, $0xF7A;
	s5 =	simm.s32 @!p2 $0x0  }
0x1d: {  	s5 =	simm.s32 @p1 $0x1;
	p0 =	seq.s32 s7, s2  }
0x1e: {  	s7 =	smul.u32 @!p0 $0xF7A, s2;
	p2 =	seq.s32 @!p0 s5, $0x0  }
0x1f: {  	s9 =	smul.u32 $0xF7A, s1;
	s8 =	simm.s32 @!p0 $0x1BF5;
	p2 =	por !p2, p0  }
0x20: {  	[sflag:s8] =	ssyncset.s32 @!p0 $0xFFFFF086;
	s6 =	sadd.s32 @!p0 s3, s7;
	s7 =	simm.s32 @!p0 $0x108  }
0x21: {  	s3 =	sadd.s32 s3, s9;
	s6 =	sadd.s32 @!p0 $0x88, s6;
	s7 =	simm.s32 @p2 $0x1082  }
0x22: {  	[simem:s7], [sflag:s8] =	dma.local @!p0 [hbm:s6], $0xF7A  }
0x23: {  	s9 =	sor.u32 $0xD0000000, s2;
	s6 =	simm.s32 $0x108;
	_ =	swait.ge @!p0 [sflag:s8], $0x0  }
0x24: {  	s3 =	sadd.s32 $0x88, s3;
	s6 =	simm.s32 @!p1 $0x1082;
	[sflag:s4] =	ssyncset.s32 $0xFFFFF086  }
0x25: {  	[simem:s6], [sflag:s4] =	dma.local [hbm:s3], $0xF7A  }
0x26: {  	[smem:$0x3F9F] =	sst s1;
	(tag) =	ssettag s2;
	_ =	strace s9  }
0x27: {  	s1 =	sld [smem:$0x3FAF]  }
0x28: {  	s2 =	sld [smem:$0x3FB0]  }
0x29: {  	s4 =	sld [smem:$0x3FB2]  }
0x2a: {  	p0 =	seq.s32 s5, $0x0;
	s5 =	sld [smem:$0x3FB3]  }
0x2b: {  	s6 =	sld [smem:$0x3FB4]  }
0x2c: {  	s7 =	sld [smem:$0x3FB5]  }
0x2d: {  	s3 =	simm.s32 $0x108;
	s8 =	sld [smem:$0x3FB6]  }
0x2e: {  	s3 =	simm.s32 @!p0 $0x1082;
	s9 =	sld [smem:$0x3FB7]  }
0x2f: {  	lr =	sadd.s32 s0, s3;
	s0 =	sld [smem:$0x3FAE]  }
0x30: {  	s3 =	sld [smem:$0x3FB1]  }
0x31: {  	[smem:$0x3FBA] =	sst s10  }
0x32: {  	s10 =	sld [smem:$0x3FB8];
	_ =	sdelay $0x3  }
0x33: {  	p0 =	seq.s32 s10, $0x1;
	s10 =	sld [smem:$0x3FBA];
	_ =	sdelay $0x3  }
0x34: {  	[smem:$0x3FBA] =	sst s10  }
0x35: {  	s10 =	sld [smem:$0x3FB9];
	_ =	sdelay $0x3  }
0x36: {  	p1 =	seq.s32 s10, $0x1;
	s10 =	sld [smem:$0x3FBA];
	_ =	sdelay $0x3  }
0x37: {  	[smem:$0x3FBA] =	sst s10  }
0x38: {  	s10 =	sld [smem:$0x3FBB]  }
0x39: {  	_ = 	snop;
	(pc) =	sbr.ind lr, $3  }
0x3a: {  	_ = 	snop  }
0x3b: {  	_ = 	snop  }
0x3c: {  	p2 =	seq.s32 s10, $0x1;
	s10 =	sld [smem:$0x3FBA]  }
0x3d: {  	_ =	shalt  }
0x3e: {  	_ =	shalt  }
0x3f: {  	_ =	shalt  }
0x40: {  	_ =	shalt  }
0x41: {  	_ =	shalt  }
0x42: {  	_ =	shalt  }
0x43: {  	_ =	shalt  }
0x44: {  	_ =	shalt  }
0x45: {  	_ =	shalt  }
0x46: {  	_ =	shalt  }
0x47: {  	_ =	shalt  }
0x48: {  	_ =	shalt  }
0x49: {  	_ =	shalt  }
0x4a: {  	_ =	shalt  }
0x4b: {  	_ =	shalt  }
0x4c: {  	_ =	shalt  }
0x4d: {  	_ =	shalt  }
0x4e: {  	_ =	shalt  }
0x4f: {  	_ =	shalt  }
0x50: {  	_ =	shalt  }
0x51: {  	_ =	shalt  }
0x52: {  	_ =	shalt  }
0x53: {  	_ =	shalt  }
0x54: {  	_ =	shalt  }
0x55: {  	_ =	shalt  }
0x56: {  	_ =	shalt  }
0x57: {  	_ =	shalt  }
0x58: {  	_ =	shalt  }
0x59: {  	_ =	shalt  }
0x5a: {  	_ =	shalt  }
0x5b: {  	_ =	shalt  }
0x5c: {  	_ =	shalt  }
0x5d: {  	_ =	shalt  }
0x5e: {  	_ =	shalt  }
0x5f: {  	_ =	shalt  }
0x60: {  	_ =	shalt  }
0x61: {  	_ =	shalt  }
0x62: {  	_ =	shalt  }
0x63: {  	_ =	shalt  }
0x64: {  	_ =	shalt  }
0x65: {  	_ =	shalt  }
0x66: {  	_ =	shalt  }
0x67: {  	_ =	shalt  }
0x68: {  	_ =	shalt  }
0x69: {  	_ =	shalt  }
0x6a: {  	_ =	shalt  }
0x6b: {  	_ =	shalt  }
0x6c: {  	_ =	shalt  }
0x6d: {  	_ =	shalt  }
0x6e: {  	_ =	shalt  }
0x6f: {  	_ =	shalt  }
0x70: {  	_ =	shalt  }
0x71: {  	_ =	shalt  }
0x72: {  	_ =	shalt  }
0x73: {  	_ =	shalt  }
0x74: {  	_ =	shalt  }
0x75: {  	_ =	shalt  }
0x76: {  	_ =	shalt  }
0x77: {  	_ =	shalt  }
0x78: {  	_ =	shalt  }
0x79: {  	_ =	shalt  }
0x7a: {  	_ =	shalt  }
0x7b: {  	_ =	shalt  }
0x7c: {  	_ =	shalt  }
0x7d: {  	_ =	shalt  }
0x7e: {  	_ =	shalt  }
0x7f: {  	_ =	shalt  }
0x80: {  	_ =	shalt  }
0x81: {  	_ =	shalt  }
0x82: {  	_ =	shalt  }
0x83: {  	_ =	shalt  }
0x84: {  	_ =	shalt  }
0x85: {  	_ =	shalt  }
0x86: {  	_ =	shalt  }
0x87: {  	_ =	shalt  }
.Lfunc_end0:
.L_simem_size_0:
called_computation_lowered:
.L_overlay_start_0:
0x88: {  	s2 =	sld [smem:$0x3FD9]  }
0x89: {  	s3 =	sld [smem:$0x3FFE];
	_ =	sdelay $0x1  }
0x8a: {  	s1 =	srdreg.scid  }
0x8b: {  	s0 =	sand.u32 $0x1, s1  }
0x8c: {  	s14 =	sshll.u32 s0, $0xA;
	s2 =	sadd.s32 s3, s2  }
0x8d: {  	s2 =	sadd.s32 s2, s14  }
0x8e: {  	[smem:$0x3FC6] =	sst s2  }
0x8f: {  	_ = 	snop  }
0x90: {  	s2 =	sld [smem:$0x3FD0];
	_ =	sdelay $0x2  }
0x91: {  	s15 =	simm.s32 $0xA;
	s4 =	simm.s32 $0x10  }
0x92: {  	[smem:s4], [sflag:s15] =	dma.local [hbm:s2], $0x1  }
0x93: {  	_ =	swait.eq [sflag:s15], $0x1  }
0x94: {  	[sflag:s15] =	ssyncset.done $0x0  }
0x95: {  	[sflag:s15] =	ssyncadd.s32 $0xFFFFFFFF  }
0x96: {  	s16 =	sld [smem:$0x10];
	(tm) =	ssettm $0x1  }
0x97: {  	s17 =	sld [smem:$0x3FFB];
	_ =	sdelay $0x3  }
0x98: {  	_ =	strace s17  }
0x99: {  	s3 =	sld [smem:$0x3FFC];
	_ =	sdelay $0x3  }
0x9a: {  	_ =	strace s3  }
0x9b: {  	s3 =	sld [smem:$0x3FFD];
	_ =	sdelay $0x3  }
0x9c: {  	_ =	strace s3  }
0x9d: {  	_ =	strace $0x8FFFFFFF  }
0x9e: {  	s18 =	sld [smem:$0x3FDB];
	_ =	sdelay $0x1  }
0x9f: {  	s19 =	simm.s32 $_scs_section_size  }
0xa0: {  	s5 =	simm.s32 $_size__tile_overlayer_lowered;
	s6 =	simm.s32 $_tile_overlayer_lowered  }
0xa1: {  	s22 =	simm.s32 $0x1BFF;
	s21 =	sshll.u32 s6, $0x1;
	s3 =	sadd.s32 s19, s18  }
0xa2: {  	s7 =	simm.s32 $0x0;
	s20 =	sshll.u32 s5, $0x1;
	s5 =	sadd.s32 s21, s3  }
0xa3: {  	[timem:s7], [sflag:s22] =	dma.local [hbm:s5], s20  }
0xa4: {  	_ =	swait.ge [sflag:s22], s20  }
0xa5: {  	s4 =	ssub.s32 $0x0, s20;
	[sflag:s22] =	ssyncset.done $0x0  }
0xa6: {  	[sflag:s22] =	ssyncadd.s32 s4;
	_ =	sdelay $0x1  }
0xa7: {  	s23 =	simm.s32 $0x1B8B  }
0xa8: {  	_ =	swait.ge [sflag:s23], $0x1  }
0xa9: {  	[sflag:s23] =	ssyncset.done $0x0  }
0xaa: {  	s25 =	simm.s32 $0x1B8E;
	s24 =	sld [smem:$0x3FFE];
	[sflag:s23] =	ssyncadd.s32 $0xFFFFFFFF  }
0xab: {  	s26 =	simm.s32 $execute0_lowered;
	[smem:$0x3FD2] =	sst s25  }
0xac: {  	s5 =	sshll.u32 s26, $0x1;
	_ =	strace $0x80000046;
	[dreg:$0x1] =	wrdreg $0xFFFFFFFF  }
0xad: {  	s28 =	simm.s32 $_size_execute0_lowered;
	s3 =	sadd.s32 s3, s5;
	[dreg:$0x0] =	wrdreg $0x0  }
0xae: {  	s5 =	sshll.u32 s28, $0x1;
	[dreg:$0x2] =	wrdreg s3  }
0xaf: {  	[dreg:$0x3] =	wrdreg s5  }
0xb0: {  	[dreg:$0x4] =	wrdreg $0xC0  }
0xb1: {  	_ =	task [dreg:s7], $0x5FFFF  }
0xb2: {  	[dreg:$0x1] =	wrdreg $0xFFFFFFFF  }
0xb3: {  	[dreg:$0x0] =	wrdreg $0x60  }
0xb4: {  	[dreg:$0x2] =	wrdreg s24  }
0xb5: {  	[dreg:$0x3] =	wrdreg s16  }
0xb6: {  	[dreg:$0x4] =	wrdreg $0x9  }
0xb7: {  	_ =	task.clear_ibuf [dreg:s7], $0x5FFFF;
	_ =	strace $0x90000046  }
0xb8: {  	s29 =	simm.s32 $0x9;
	_ =	strace $0x80000048  }
0xb9: {  	_ =	swait.ge [sflag:s29], $0x1  }
0xba: {  	[sflag:s29] =	ssyncadd.s32 $0xFFFFFFFF  }
0xbb: {  	_ =	strace $0x90000048  }
0xbc: {  	_ =	sfence  }
0xbd: {  	s30 =	sld [smem:$0x0];
	_ =	sdelay $0x2  }
0xbe: {  	s31 =	sshll.u32 s1, $0xD;
	s1 =	sshrl.u32 s1, $0x2  }
0xbf: {  	s3 =	sand.u32 $0x4000, s31;
	s1 =	sadd.s32 s1, s30  }
0xc0: {  	s0 =	sor.u32 s3, s0;
	s1 =	sshll.u32 s1, $0x11  }
0xc1: {  	s0 =	sor.u32 s1, s0  }
0xc2: {  	s0 =	sadd.s32 $0x8F2B, s0  }
0xc3: {  	[sflag:s0] =	ssyncadd.remote.s32 $0x1  }
0xc4: {  	_ =	sfence.sel $0xFFFF  }
0xc5: {  	[dreg:$0x0] =	wrdreg $0xFFFFFFFF;
	(pc) =	sbr.abs _section_cstart, $3  }
0xc6: {  	[dreg:$0x1] =	wrdreg $0xFFFFFFFF  }
0xc7: {  	_ =	task.clear_ibuf [dreg:s7], $0x2FFFF;
	_ =	strace $0x9FFFFFFF  }
0xc8: {  	(tm) =	ssettm $0x7FFFFFFF  }
0xc9: {  	_ =	shalt  }
tec
execute0_lowered:
.L_overlay_start_1:
0x0: {  	(tag) =	ssettag $0x1  }
0x1: {  	s1 =	srdreg.scid;
	s2 =	rddreg [dreg:$0x0]  }
0x2: {  	s0 =	stileid.u32;
	s5 =	rddreg [dreg:$0x1]  }
0x3: {  	s8 =	simm.s32 $0x1280;
	s9 =	simm.s32 $0x1A80;
	s10 =	simm.s32 $0x2280  }
0x4: {  	s11 =	simm.s32 $0x2A80;
	s12 =	simm.s32 $0x3280;
	s13 =	simm.s32 $0x3A80  }
0x5: {  	s14 =	simm.s32 $0x4280;
	s15 =	simm.s32 $0x4A80;
	s16 =	simm.s32 $0x5280  }
0x6: {  	s17 =	simm.s32 $0x5A80;
	s18 =	simm.s32 $0x1;
	s19 =	simm.s32 $0x6280  }
0x7: {  	s20 =	simm.s32 $0x6A80;
	s1 =	sand.u32 $0x1, s1;
	s3 =	sshll.u32 s0, $0x1  }
0x8: {  	s28 =	simm.s32 $0xA280;
	s29 =	simm.s32 $0xAA80;
	s4 =	sor.u32 s1, s3  }
0x9: {  	s30 =	simm.s32 $0xB280;
	s31 =	simm.s32 $0xBA80;
	s6 =	smul.u32 $0x48, s4  }
0xa: {  	s3 =	simm.s32 $0x0;
	s1 =	ssub.s32 $0x2, s1;
	s7 =	smul.u32 $0x24000, s4  }
0xb: {  	[smem:$0x7FF] =	sst s3;
	s4 =	smul.u32 $0x4800, s4;
	s24 =	sshrl.u32 s1, $0x1  }
0xc: {  	_ =	strace $0x80000047;
	s1 =	ssub.s32 s1, s24;
	s24 =	simm.s32 $0x8A80  }
0xd: {  	s6 =	sadd.s32 s6, s2;
	s7 =	sshrl.u32 s7, $0x3;
	s4 =	sadd.s32 s5, s4  }
0xe: {  	s6 =	sadd.s32 $0x8000, s6;
	s5 =	sadd.s32 s5, s7;
	[dreg:$0x4] =	wrdreg s4  }
0xf: {  	s4 =	smax.u32 s1, $0x1;
	[dreg:$0x3] =	wrdreg s6;
	s21 =	sadd.s32 $0xC00, s5  }
0x10: {  	s7 =	simm.s32 $0xA80;
	s22 =	sadd.s32 $0x1800, s5;
	[dreg:$0x5] =	wrdreg s21  }
0x11: {  	s1 =	simm.s32 $0x2;
	s23 =	sadd.s32 $0x2400, s5;
	[dreg:$0x6] =	wrdreg s22  }
0x12: {  	s25 =	sadd.s32 $0x3000, s5;
	s26 =	sadd.s32 $0x3C00, s5;
	[dreg:$0x7] =	wrdreg s23  }
0x13: {  	v2 =	vlaneseq.u32;
	s5 =	simm.s32 $0x3;
	s6 =	simm.s32 $0x280;
	[dreg:$0x8] =	wrdreg s25  }
0x14: {  	vm0 =	vmmov $0xffff;
	v1 =	vshrl.u32 v2, $0x3;
	[dreg:$0x9] =	wrdreg s26;
	s21 =	simm.s32 $0x7280;
	s22 =	simm.s32 $0x7A80  }
0x15: {  	v0 =	vand.u32 $0x7, v2;
	v2 =	vor.u32 $0x8, v2;
	v1 =	vmul.u32 $0x8, v1;
	s23 =	simm.s32 $0x8280;
	s25 =	simm.s32 $0x9280;
	s26 =	simm.s32 $0x9A80  }
.LBB2_1:
0x16: {  	s0 =	rddreg [dreg:$0x3]  }
0x17: {  	[tilespmem:s3], [sflag:$0x3] =	stream.linear.gather [hbm4b:s0+s3], $0x240, $0x38;
	[tilespmem:$0xC280] =	vst v63  }
0x18: {  	_ =	swait.ge [sflag:s5], $0x240  }
0x19: {  	[sflag:s5] =	ssyncset.done $0x0  }
0x1a: {  	[sflag:s5] =	ssyncadd.s32 $0xFFFFFDC0  }
0x1b: {  	v3 =	vld [tilespmem:$0x0];
	_ =	sdelay $0x4  }
0x1c: {  	v4 =	vshll.u32 v3, $0x1  }
0x1d: {  	v3 =	vand.u32 $0x7, v3;
	v4 =	vand.u32 $0xFFFFFFF0, v4  }
0x1e: {  	v3 =	vor.u32 v3, v4  }
0x1f: {  	v4 =	vperm.xlane v3, v0;
	_ =	sdelay $0x1  }
0x20: {  	v3 =	vperm.xlane v3, v2;
	v4 =	vadd.s32 v1, v4;
	_ =	sdelay $0x1  }
0x21: {  	v3 =	vadd.s32 v1, v3;
	_ =	sdelay $0x2  }
0x22: {  	[tilespmem:s6], [sflag:$0x1] =	stream.indirect_vreg.gather [hbm4b:s2+s3], $0x80, v4, vm0, $0xb8;
	[tilespmem:$0xC280] =	vst v63  }
0x23: {  	_ = 	snop  }
0x24: {  	[tilespmem:s7], [sflag:$0x1] =	stream.indirect_vreg.gather [hbm4b:s2+s3], $0x80, v3, vm0, $0xb8;
	[tilespmem:$0xC280] =	vst v63  }
0x25: {  	v3 =	vld [tilespmem:$0x10];
	_ =	sdelay $0x4  }
0x26: {  	v29 =	vshll.u32 v3, $0x1  }
0x27: {  	v3 =	vand.u32 $0x7, v3;
	v4 =	vand.u32 $0xFFFFFFF0, v29  }
0x28: {  	v3 =	vor.u32 v3, v4  }
0x29: {  	v4 =	vperm.xlane v3, v0;
	_ =	sdelay $0x1  }
0x2a: {  	v3 =	vperm.xlane v3, v2;
	v4 =	vadd.s32 v1, v4;
	_ =	sdelay $0x1  }
0x2b: {  	v3 =	vadd.s32 v1, v3;
	_ =	sdelay $0x2  }
0x2c: {  	[tilespmem:s8], [sflag:$0x1] =	stream.indirect_vreg.gather [hbm4b:s2+s3], $0x80, v4, vm0, $0xb8;
	[tilespmem:$0xC280] =	vst v63  }
0x2d: {  	_ = 	snop  }
0x2e: {  	[tilespmem:s9], [sflag:$0x1] =	stream.indirect_vreg.gather [hbm4b:s2+s3], $0x80, v3, vm0, $0xb8;
	[tilespmem:$0xC280] =	vst v63  }
0x2f: {  	v3 =	vld [tilespmem:$0x20];
	_ =	sdelay $0x4  }
0x30: {  	v30 =	vshll.u32 v3, $0x1  }
0x31: {  	v3 =	vand.u32 $0x7, v3;
	v4 =	vand.u32 $0xFFFFFFF0, v30  }
0x32: {  	v3 =	vor.u32 v3, v4  }
0x33: {  	v4 =	vperm.xlane v3, v0;
	_ =	sdelay $0x1  }
0x34: {  	v3 =	vperm.xlane v3, v2;
	v4 =	vadd.s32 v1, v4;
	_ =	sdelay $0x1  }
0x35: {  	v3 =	vadd.s32 v1, v3;
	_ =	sdelay $0x2  }
0x36: {  	[tilespmem:s10], [sflag:$0x1] =	stream.indirect_vreg.gather [hbm4b:s2+s3], $0x80, v4, vm0, $0xb8;
	[tilespmem:$0xC280] =	vst v63  }
0x37: {  	_ = 	snop  }
0x38: {  	[tilespmem:s11], [sflag:$0x1] =	stream.indirect_vreg.gather [hbm4b:s2+s3], $0x80, v3, vm0, $0xb8;
	[tilespmem:$0xC280] =	vst v63  }
0x39: {  	v3 =	vld [tilespmem:$0x30];
	_ =	sdelay $0x4  }
0x3a: {  	v31 =	vshll.u32 v3, $0x1  }
0x3b: {  	v3 =	vand.u32 $0x7, v3;
	v4 =	vand.u32 $0xFFFFFFF0, v31  }
0x3c: {  	v3 =	vor.u32 v3, v4  }
0x3d: {  	v4 =	vperm.xlane v3, v0;
	_ =	sdelay $0x1  }
0x3e: {  	v3 =	vperm.xlane v3, v2;
	v4 =	vadd.s32 v1, v4;
	_ =	sdelay $0x1  }
0x3f: {  	v3 =	vadd.s32 v1, v3;
	_ =	sdelay $0x2  }
0x40: {  	[tilespmem:s12], [sflag:$0x1] =	stream.indirect_vreg.gather [hbm4b:s2+s3], $0x80, v4, vm0, $0xb8;
	[tilespmem:$0xC280] =	vst v63  }
0x41: {  	_ = 	snop  }
0x42: {  	[tilespmem:s13], [sflag:$0x1] =	stream.indirect_vreg.gather [hbm4b:s2+s3], $0x80, v3, vm0, $0xb8;
	[tilespmem:$0xC280] =	vst v63  }
0x43: {  	v3 =	vld [tilespmem:$0x40];
	_ =	sdelay $0x4  }
0x44: {  	v32 =	vshll.u32 v3, $0x1  }
0x45: {  	v3 =	vand.u32 $0x7, v3;
	v4 =	vand.u32 $0xFFFFFFF0, v32  }
0x46: {  	v3 =	vor.u32 v3, v4  }
0x47: {  	v4 =	vperm.xlane v3, v0;
	_ =	sdelay $0x1  }
0x48: {  	v3 =	vperm.xlane v3, v2;
	v4 =	vadd.s32 v1, v4;
	_ =	sdelay $0x1  }
0x49: {  	v3 =	vadd.s32 v1, v3;
	_ =	sdelay $0x2  }
0x4a: {  	[tilespmem:s14], [sflag:$0x1] =	stream.indirect_vreg.gather [hbm4b:s2+s3], $0x80, v4, vm0, $0xb8;
	[tilespmem:$0xC280] =	vst v63  }
0x4b: {  	_ = 	snop  }
0x4c: {  	[tilespmem:s15], [sflag:$0x1] =	stream.indirect_vreg.gather [hbm4b:s2+s3], $0x80, v3, vm0, $0xb8;
	[tilespmem:$0xC280] =	vst v63  }
0x4d: {  	v3 =	vld [tilespmem:$0x50];
	_ =	sdelay $0x4  }
0x4e: {  	v33 =	vshll.u32 v3, $0x1  }
0x4f: {  	v3 =	vand.u32 $0x7, v3;
	v4 =	vand.u32 $0xFFFFFFF0, v33  }
0x50: {  	v3 =	vor.u32 v3, v4  }
0x51: {  	v4 =	vperm.xlane v3, v0;
	_ =	sdelay $0x1  }
0x52: {  	v3 =	vperm.xlane v3, v2;
	v4 =	vadd.s32 v1, v4;
	_ =	sdelay $0x1  }
0x53: {  	v3 =	vadd.s32 v1, v3;
	_ =	sdelay $0x2  }
0x54: {  	[tilespmem:s16], [sflag:$0x1] =	stream.indirect_vreg.gather [hbm4b:s2+s3], $0x80, v4, vm0, $0xb8;
	[tilespmem:$0xC280] =	vst v63  }
0x55: {  	_ = 	snop  }
0x56: {  	[tilespmem:s17], [sflag:$0x1] =	stream.indirect_vreg.gather [hbm4b:s2+s3], $0x80, v3, vm0, $0xb8;
	[tilespmem:$0xC280] =	vst v63  }
0x57: {  	_ =	swait.ge [sflag:s18], $0x6000  }
0x58: {  	[sflag:s18] =	ssyncset.done $0x0  }
0x59: {  	[sflag:s18] =	ssyncadd.s32 $0xFFFFA000  }
0x5a: {  	v3 =	vld [tilespmem:$0x60];
	_ =	sdelay $0x4  }
0x5b: {  	v34 =	vshll.u32 v3, $0x1  }
0x5c: {  	v3 =	vand.u32 $0x7, v3;
	v4 =	vand.u32 $0xFFFFFFF0, v34  }
0x5d: {  	v3 =	vor.u32 v3, v4  }
0x5e: {  	v4 =	vperm.xlane v3, v0;
	_ =	sdelay $0x1  }
0x5f: {  	v3 =	vperm.xlane v3, v2;
	v4 =	vadd.s32 v1, v4;
	_ =	sdelay $0x1  }
0x60: {  	v3 =	vadd.s32 v1, v3;
	_ =	sdelay $0x2  }
0x61: {  	[tilespmem:s19], [sflag:$0x2] =	stream.indirect_vreg.gather [hbm4b:s2+s3], $0x80, v4, vm0, $0xb8;
	[tilespmem:$0xC280] =	vst v63  }
0x62: {  	_ = 	snop  }
0x63: {  	[tilespmem:s20], [sflag:$0x2] =	stream.indirect_vreg.gather [hbm4b:s2+s3], $0x80, v3, vm0, $0xb8;
	[tilespmem:$0xC280] =	vst v63  }
0x64: {  	v3 =	vld [tilespmem:$0x70];
	_ =	sdelay $0x4  }
0x65: {  	v35 =	vshll.u32 v3, $0x1  }
0x66: {  	v3 =	vand.u32 $0x7, v3;
	v4 =	vand.u32 $0xFFFFFFF0, v35  }
0x67: {  	v3 =	vor.u32 v3, v4  }
0x68: {  	v4 =	vperm.xlane v3, v0;
	_ =	sdelay $0x1  }
0x69: {  	v3 =	vperm.xlane v3, v2;
	v4 =	vadd.s32 v1, v4;
	_ =	sdelay $0x1  }
0x6a: {  	v3 =	vadd.s32 v1, v3;
	_ =	sdelay $0x2  }
0x6b: {  	[tilespmem:s21], [sflag:$0x2] =	stream.indirect_vreg.gather [hbm4b:s2+s3], $0x80, v4, vm0, $0xb8;
	[tilespmem:$0xC280] =	vst v63  }
0x6c: {  	_ = 	snop  }
0x6d: {  	[tilespmem:s22], [sflag:$0x2] =	stream.indirect_vreg.gather [hbm4b:s2+s3], $0x80, v3, vm0, $0xb8;
	[tilespmem:$0xC280] =	vst v63  }
0x6e: {  	v3 =	vld [tilespmem:$0x80];
	_ =	sdelay $0x4  }
0x6f: {  	v36 =	vshll.u32 v3, $0x1  }
0x70: {  	v3 =	vand.u32 $0x7, v3;
	v4 =	vand.u32 $0xFFFFFFF0, v36  }
0x71: {  	v3 =	vor.u32 v3, v4  }
0x72: {  	v4 =	vperm.xlane v3, v0;
	_ =	sdelay $0x1  }
0x73: {  	v3 =	vperm.xlane v3, v2;
	v4 =	vadd.s32 v1, v4;
	_ =	sdelay $0x1  }
0x74: {  	v3 =	vadd.s32 v1, v3;
	_ =	sdelay $0x2  }
0x75: {  	[tilespmem:s23], [sflag:$0x2] =	stream.indirect_vreg.gather [hbm4b:s2+s3], $0x80, v4, vm0, $0xb8;
	[tilespmem:$0xC280] =	vst v63  }
0x76: {  	_ = 	snop  }
0x77: {  	[tilespmem:s24], [sflag:$0x2] =	stream.indirect_vreg.gather [hbm4b:s2+s3], $0x80, v3, vm0, $0xb8;
	[tilespmem:$0xC280] =	vst v63  }
0x78: {  	v3 =	vld [tilespmem:$0x90];
	_ =	sdelay $0x4  }
0x79: {  	v37 =	vshll.u32 v3, $0x1  }
0x7a: {  	v3 =	vand.u32 $0x7, v3;
	v4 =	vand.u32 $0xFFFFFFF0, v37  }
0x7b: {  	v3 =	vor.u32 v3, v4  }
0x7c: {  	v4 =	vperm.xlane v3, v0;
	_ =	sdelay $0x1  }
0x7d: {  	v3 =	vperm.xlane v3, v2;
	v4 =	vadd.s32 v1, v4;
	_ =	sdelay $0x1  }
0x7e: {  	v3 =	vadd.s32 v1, v3;
	_ =	sdelay $0x2  }
0x7f: {  	[tilespmem:s25], [sflag:$0x2] =	stream.indirect_vreg.gather [hbm4b:s2+s3], $0x80, v4, vm0, $0xb8;
	[tilespmem:$0xC280] =	vst v63  }
0x80: {  	_ = 	snop  }
0x81: {  	[tilespmem:s26], [sflag:$0x2] =	stream.indirect_vreg.gather [hbm4b:s2+s3], $0x80, v3, vm0, $0xb8;
	[tilespmem:$0xC280] =	vst v63  }
0x82: {  	v3 =	vld [tilespmem:$0xA0];
	_ =	sdelay $0x4  }
0x83: {  	v38 =	vshll.u32 v3, $0x1  }
0x84: {  	v3 =	vand.u32 $0x7, v3;
	v4 =	vand.u32 $0xFFFFFFF0, v38  }
0x85: {  	v3 =	vor.u32 v3, v4  }
0x86: {  	v4 =	vperm.xlane v3, v0;
	_ =	sdelay $0x1  }
0x87: {  	v3 =	vperm.xlane v3, v2;
	v4 =	vadd.s32 v1, v4;
	_ =	sdelay $0x1  }
0x88: {  	v3 =	vadd.s32 v1, v3;
	_ =	sdelay $0x2  }
0x89: {  	[tilespmem:s28], [sflag:$0x2] =	stream.indirect_vreg.gather [hbm4b:s2+s3], $0x80, v4, vm0, $0xb8;
	[tilespmem:$0xC280] =	vst v63  }
0x8a: {  	_ = 	snop  }
0x8b: {  	[tilespmem:s29], [sflag:$0x2] =	stream.indirect_vreg.gather [hbm4b:s2+s3], $0x80, v3, vm0, $0xb8;
	[tilespmem:$0xC280] =	vst v63  }
0x8c: {  	v3 =	vld [tilespmem:$0xB0];
	_ =	sdelay $0x4  }
0x8d: {  	v39 =	vshll.u32 v3, $0x1  }
0x8e: {  	v3 =	vand.u32 $0x7, v3;
	v4 =	vand.u32 $0xFFFFFFF0, v39  }
0x8f: {  	v3 =	vor.u32 v3, v4  }
0x90: {  	v4 =	vperm.xlane v3, v0;
	_ =	sdelay $0x1  }
0x91: {  	v3 =	vperm.xlane v3, v2;
	v4 =	vadd.s32 v1, v4;
	_ =	sdelay $0x1  }
0x92: {  	v3 =	vadd.s32 v1, v3;
	_ =	sdelay $0x2  }
0x93: {  	[tilespmem:s30], [sflag:$0x2] =	stream.indirect_vreg.gather [hbm4b:s2+s3], $0x80, v4, vm0, $0xb8;
	[tilespmem:$0xC280] =	vst v63  }
0x94: {  	_ = 	snop  }
0x95: {  	[tilespmem:s31], [sflag:$0x2] =	stream.indirect_vreg.gather [hbm4b:s2+s3], $0x80, v3, vm0, $0xb8;
	[tilespmem:$0xC280] =	vst v63  }
0x96: {  	s0 =	rddreg [dreg:$0x4]  }
0x97: {  	[hbm4b:s0+s3] =	stream.linear.scatter [tilespmem:s6], [sflag:$0x3], $0x6000, $0x38;
	[tilespmem:$0xC280] =	vst v63  }
0x98: {  	_ =	swait.ge [sflag:s5], $0x6000  }
0x99: {  	[sflag:s5] =	ssyncset.done $0x0  }
0x9a: {  	[sflag:s5] =	ssyncadd.s32 $0xFFFFA000  }
0x9b: {  	_ =	swait.ge [sflag:s1], $0x6000  }
0x9c: {  	[sflag:s1] =	ssyncset.done $0x0  }
0x9d: {  	[sflag:s1] =	ssyncadd.s32 $0xFFFFA000  }
0x9e: {  	v3 =	vld [tilespmem:$0xC0];
	_ =	sdelay $0x4  }
0x9f: {  	v40 =	vshll.u32 v3, $0x1  }
0xa0: {  	v3 =	vand.u32 $0x7, v3;
	v4 =	vand.u32 $0xFFFFFFF0, v40  }
0xa1: {  	v3 =	vor.u32 v3, v4  }
0xa2: {  	v4 =	vperm.xlane v3, v0;
	_ =	sdelay $0x1  }
0xa3: {  	v3 =	vperm.xlane v3, v2;
	v4 =	vadd.s32 v1, v4;
	_ =	sdelay $0x1  }
0xa4: {  	v3 =	vadd.s32 v1, v3;
	_ =	sdelay $0x2  }
0xa5: {  	[tilespmem:s6], [sflag:$0x1] =	stream.indirect_vreg.gather [hbm4b:s2+s3], $0x80, v4, vm0, $0xb8;
	[tilespmem:$0xC280] =	vst v63  }
0xa6: {  	_ = 	snop  }
0xa7: {  	[tilespmem:s7], [sflag:$0x1] =	stream.indirect_vreg.gather [hbm4b:s2+s3], $0x80, v3, vm0, $0xb8;
	[tilespmem:$0xC280] =	vst v63  }
0xa8: {  	v3 =	vld [tilespmem:$0xD0];
	_ =	sdelay $0x4  }
0xa9: {  	v41 =	vshll.u32 v3, $0x1  }
0xaa: {  	v3 =	vand.u32 $0x7, v3;
	v4 =	vand.u32 $0xFFFFFFF0, v41  }
0xab: {  	v3 =	vor.u32 v3, v4  }
0xac: {  	v4 =	vperm.xlane v3, v0;
	_ =	sdelay $0x1  }
0xad: {  	v3 =	vperm.xlane v3, v2;
	v4 =	vadd.s32 v1, v4;
	_ =	sdelay $0x1  }
0xae: {  	v3 =	vadd.s32 v1, v3;
	_ =	sdelay $0x2  }
0xaf: {  	[tilespmem:s8], [sflag:$0x1] =	stream.indirect_vreg.gather [hbm4b:s2+s3], $0x80, v4, vm0, $0xb8;
	[tilespmem:$0xC280] =	vst v63  }
0xb0: {  	_ = 	snop  }
0xb1: {  	[tilespmem:s9], [sflag:$0x1] =	stream.indirect_vreg.gather [hbm4b:s2+s3], $0x80, v3, vm0, $0xb8;
	[tilespmem:$0xC280] =	vst v63  }
0xb2: {  	v3 =	vld [tilespmem:$0xE0];
	_ =	sdelay $0x4  }
0xb3: {  	v42 =	vshll.u32 v3, $0x1  }
0xb4: {  	v3 =	vand.u32 $0x7, v3;
	v4 =	vand.u32 $0xFFFFFFF0, v42  }
0xb5: {  	v3 =	vor.u32 v3, v4  }
0xb6: {  	v4 =	vperm.xlane v3, v0;
	_ =	sdelay $0x1  }
0xb7: {  	v3 =	vperm.xlane v3, v2;
	v4 =	vadd.s32 v1, v4;
	_ =	sdelay $0x1  }
0xb8: {  	v3 =	vadd.s32 v1, v3;
	_ =	sdelay $0x2  }
0xb9: {  	[tilespmem:s10], [sflag:$0x1] =	stream.indirect_vreg.gather [hbm4b:s2+s3], $0x80, v4, vm0, $0xb8;
	[tilespmem:$0xC280] =	vst v63  }
0xba: {  	_ = 	snop  }
0xbb: {  	[tilespmem:s11], [sflag:$0x1] =	stream.indirect_vreg.gather [hbm4b:s2+s3], $0x80, v3, vm0, $0xb8;
	[tilespmem:$0xC280] =	vst v63  }
0xbc: {  	v3 =	vld [tilespmem:$0xF0];
	_ =	sdelay $0x4  }
0xbd: {  	v43 =	vshll.u32 v3, $0x1  }
0xbe: {  	v3 =	vand.u32 $0x7, v3;
	v4 =	vand.u32 $0xFFFFFFF0, v43  }
0xbf: {  	v3 =	vor.u32 v3, v4  }
0xc0: {  	v4 =	vperm.xlane v3, v0;
	_ =	sdelay $0x1  }
0xc1: {  	v3 =	vperm.xlane v3, v2;
	v4 =	vadd.s32 v1, v4;
	_ =	sdelay $0x1  }
0xc2: {  	v3 =	vadd.s32 v1, v3;
	_ =	sdelay $0x2  }
0xc3: {  	[tilespmem:s12], [sflag:$0x1] =	stream.indirect_vreg.gather [hbm4b:s2+s3], $0x80, v4, vm0, $0xb8;
	[tilespmem:$0xC280] =	vst v63  }
0xc4: {  	_ = 	snop  }
0xc5: {  	[tilespmem:s13], [sflag:$0x1] =	stream.indirect_vreg.gather [hbm4b:s2+s3], $0x80, v3, vm0, $0xb8;
	[tilespmem:$0xC280] =	vst v63  }
0xc6: {  	v3 =	vld [tilespmem:$0x100];
	_ =	sdelay $0x4  }
0xc7: {  	v44 =	vshll.u32 v3, $0x1  }
0xc8: {  	v3 =	vand.u32 $0x7, v3;
	v4 =	vand.u32 $0xFFFFFFF0, v44  }
0xc9: {  	v3 =	vor.u32 v3, v4  }
0xca: {  	v4 =	vperm.xlane v3, v0;
	_ =	sdelay $0x1  }
0xcb: {  	v3 =	vperm.xlane v3, v2;
	v4 =	vadd.s32 v1, v4;
	_ =	sdelay $0x1  }
0xcc: {  	v3 =	vadd.s32 v1, v3;
	_ =	sdelay $0x2  }
0xcd: {  	[tilespmem:s14], [sflag:$0x1] =	stream.indirect_vreg.gather [hbm4b:s2+s3], $0x80, v4, vm0, $0xb8;
	[tilespmem:$0xC280] =	vst v63  }
0xce: {  	_ = 	snop  }
0xcf: {  	[tilespmem:s15], [sflag:$0x1] =	stream.indirect_vreg.gather [hbm4b:s2+s3], $0x80, v3, vm0, $0xb8;
	[tilespmem:$0xC280] =	vst v63  }
0xd0: {  	v3 =	vld [tilespmem:$0x110];
	_ =	sdelay $0x4  }
0xd1: {  	v45 =	vshll.u32 v3, $0x1  }
0xd2: {  	v3 =	vand.u32 $0x7, v3;
	v4 =	vand.u32 $0xFFFFFFF0, v45  }
0xd3: {  	v3 =	vor.u32 v3, v4  }
0xd4: {  	v4 =	vperm.xlane v3, v0;
	_ =	sdelay $0x1  }
0xd5: {  	v3 =	vperm.xlane v3, v2;
	v4 =	vadd.s32 v1, v4;
	_ =	sdelay $0x1  }
0xd6: {  	v3 =	vadd.s32 v1, v3;
	_ =	sdelay $0x2  }
0xd7: {  	[tilespmem:s16], [sflag:$0x1] =	stream.indirect_vreg.gather [hbm4b:s2+s3], $0x80, v4, vm0, $0xb8;
	[tilespmem:$0xC280] =	vst v63  }
0xd8: {  	_ = 	snop  }
0xd9: {  	[tilespmem:s17], [sflag:$0x1] =	stream.indirect_vreg.gather [hbm4b:s2+s3], $0x80, v3, vm0, $0xb8;
	[tilespmem:$0xC280] =	vst v63  }
0xda: {  	s0 =	rddreg [dreg:$0x5]  }
0xdb: {  	[hbm4b:s0+s3] =	stream.linear.scatter [tilespmem:s19], [sflag:$0x3], $0x6000, $0x38;
	[tilespmem:$0xC280] =	vst v63  }
0xdc: {  	_ =	swait.ge [sflag:s5], $0x6000  }
0xdd: {  	[sflag:s5] =	ssyncset.done $0x0  }
0xde: {  	[sflag:s5] =	ssyncadd.s32 $0xFFFFA000  }
0xdf: {  	_ =	swait.ge [sflag:s18], $0x6000  }
0xe0: {  	[sflag:s18] =	ssyncset.done $0x0  }
0xe1: {  	[sflag:s18] =	ssyncadd.s32 $0xFFFFA000  }
0xe2: {  	v3 =	vld [tilespmem:$0x120];
	_ =	sdelay $0x4  }
0xe3: {  	v46 =	vshll.u32 v3, $0x1  }
0xe4: {  	v3 =	vand.u32 $0x7, v3;
	v4 =	vand.u32 $0xFFFFFFF0, v46  }
0xe5: {  	v3 =	vor.u32 v3, v4  }
0xe6: {  	v4 =	vperm.xlane v3, v0;
	_ =	sdelay $0x1  }
0xe7: {  	v3 =	vperm.xlane v3, v2;
	v4 =	vadd.s32 v1, v4;
	_ =	sdelay $0x1  }
0xe8: {  	v3 =	vadd.s32 v1, v3;
	_ =	sdelay $0x2  }
0xe9: {  	[tilespmem:s19], [sflag:$0x2] =	stream.indirect_vreg.gather [hbm4b:s2+s3], $0x80, v4, vm0, $0xb8;
	[tilespmem:$0xC280] =	vst v63  }
0xea: {  	_ = 	snop  }
0xeb: {  	[tilespmem:s20], [sflag:$0x2] =	stream.indirect_vreg.gather [hbm4b:s2+s3], $0x80, v3, vm0, $0xb8;
	[tilespmem:$0xC280] =	vst v63  }
0xec: {  	v3 =	vld [tilespmem:$0x130];
	_ =	sdelay $0x4  }
0xed: {  	v47 =	vshll.u32 v3, $0x1  }
0xee: {  	v3 =	vand.u32 $0x7, v3;
	v4 =	vand.u32 $0xFFFFFFF0, v47  }
0xef: {  	v3 =	vor.u32 v3, v4  }
0xf0: {  	v4 =	vperm.xlane v3, v0;
	_ =	sdelay $0x1  }
0xf1: {  	v3 =	vperm.xlane v3, v2;
	v4 =	vadd.s32 v1, v4;
	_ =	sdelay $0x1  }
0xf2: {  	v3 =	vadd.s32 v1, v3;
	_ =	sdelay $0x2  }
0xf3: {  	[tilespmem:s21], [sflag:$0x2] =	stream.indirect_vreg.gather [hbm4b:s2+s3], $0x80, v4, vm0, $0xb8;
	[tilespmem:$0xC280] =	vst v63  }
0xf4: {  	_ = 	snop  }
0xf5: {  	[tilespmem:s22], [sflag:$0x2] =	stream.indirect_vreg.gather [hbm4b:s2+s3], $0x80, v3, vm0, $0xb8;
	[tilespmem:$0xC280] =	vst v63  }
0xf6: {  	v3 =	vld [tilespmem:$0x140];
	_ =	sdelay $0x4  }
0xf7: {  	v48 =	vshll.u32 v3, $0x1  }
0xf8: {  	v3 =	vand.u32 $0x7, v3;
	v4 =	vand.u32 $0xFFFFFFF0, v48  }
0xf9: {  	v3 =	vor.u32 v3, v4  }
0xfa: {  	v4 =	vperm.xlane v3, v0;
	_ =	sdelay $0x1  }
0xfb: {  	v3 =	vperm.xlane v3, v2;
	v4 =	vadd.s32 v1, v4;
	_ =	sdelay $0x1  }
0xfc: {  	v3 =	vadd.s32 v1, v3;
	_ =	sdelay $0x2  }
0xfd: {  	[tilespmem:s23], [sflag:$0x2] =	stream.indirect_vreg.gather [hbm4b:s2+s3], $0x80, v4, vm0, $0xb8;
	[tilespmem:$0xC280] =	vst v63  }
0xfe: {  	_ = 	snop  }
0xff: {  	[tilespmem:s24], [sflag:$0x2] =	stream.indirect_vreg.gather [hbm4b:s2+s3], $0x80, v3, vm0, $0xb8;
	[tilespmem:$0xC280] =	vst v63  }
0x100: {  	v3 =	vld [tilespmem:$0x150];
	_ =	sdelay $0x4  }
0x101: {  	v49 =	vshll.u32 v3, $0x1  }
0x102: {  	v3 =	vand.u32 $0x7, v3;
	v4 =	vand.u32 $0xFFFFFFF0, v49  }
0x103: {  	v3 =	vor.u32 v3, v4  }
0x104: {  	v4 =	vperm.xlane v3, v0;
	_ =	sdelay $0x1  }
0x105: {  	v3 =	vperm.xlane v3, v2;
	v4 =	vadd.s32 v1, v4;
	_ =	sdelay $0x1  }
0x106: {  	v3 =	vadd.s32 v1, v3;
	_ =	sdelay $0x2  }
0x107: {  	[tilespmem:s25], [sflag:$0x2] =	stream.indirect_vreg.gather [hbm4b:s2+s3], $0x80, v4, vm0, $0xb8;
	[tilespmem:$0xC280] =	vst v63  }
0x108: {  	_ = 	snop  }
0x109: {  	[tilespmem:s26], [sflag:$0x2] =	stream.indirect_vreg.gather [hbm4b:s2+s3], $0x80, v3, vm0, $0xb8;
	[tilespmem:$0xC280] =	vst v63  }
0x10a: {  	v3 =	vld [tilespmem:$0x160];
	_ =	sdelay $0x4  }
0x10b: {  	v50 =	vshll.u32 v3, $0x1  }
0x10c: {  	v3 =	vand.u32 $0x7, v3;
	v4 =	vand.u32 $0xFFFFFFF0, v50  }
0x10d: {  	v3 =	vor.u32 v3, v4  }
0x10e: {  	v4 =	vperm.xlane v3, v0;
	_ =	sdelay $0x1  }
0x10f: {  	v3 =	vperm.xlane v3, v2;
	v4 =	vadd.s32 v1, v4;
	_ =	sdelay $0x1  }
0x110: {  	v3 =	vadd.s32 v1, v3;
	_ =	sdelay $0x2  }
0x111: {  	[tilespmem:s28], [sflag:$0x2] =	stream.indirect_vreg.gather [hbm4b:s2+s3], $0x80, v4, vm0, $0xb8;
	[tilespmem:$0xC280] =	vst v63  }
0x112: {  	_ = 	snop  }
0x113: {  	[tilespmem:s29], [sflag:$0x2] =	stream.indirect_vreg.gather [hbm4b:s2+s3], $0x80, v3, vm0, $0xb8;
	[tilespmem:$0xC280] =	vst v63  }
0x114: {  	v3 =	vld [tilespmem:$0x170];
	_ =	sdelay $0x4  }
0x115: {  	v51 =	vshll.u32 v3, $0x1  }
0x116: {  	v3 =	vand.u32 $0x7, v3;
	v4 =	vand.u32 $0xFFFFFFF0, v51  }
0x117: {  	v3 =	vor.u32 v3, v4  }
0x118: {  	v4 =	vperm.xlane v3, v0;
	_ =	sdelay $0x1  }
0x119: {  	v3 =	vperm.xlane v3, v2;
	v4 =	vadd.s32 v1, v4;
	_ =	sdelay $0x1  }
0x11a: {  	v3 =	vadd.s32 v1, v3;
	_ =	sdelay $0x2  }
0x11b: {  	[tilespmem:s30], [sflag:$0x2] =	stream.indirect_vreg.gather [hbm4b:s2+s3], $0x80, v4, vm0, $0xb8;
	[tilespmem:$0xC280] =	vst v63  }
0x11c: {  	_ = 	snop  }
0x11d: {  	[tilespmem:s31], [sflag:$0x2] =	stream.indirect_vreg.gather [hbm4b:s2+s3], $0x80, v3, vm0, $0xb8;
	[tilespmem:$0xC280] =	vst v63  }
0x11e: {  	s0 =	rddreg [dreg:$0x6]  }
0x11f: {  	[hbm4b:s0+s3] =	stream.linear.scatter [tilespmem:s6], [sflag:$0x3], $0x6000, $0x38;
	[tilespmem:$0xC280] =	vst v63  }
0x120: {  	_ =	swait.ge [sflag:s5], $0x6000  }
0x121: {  	[sflag:s5] =	ssyncset.done $0x0  }
0x122: {  	[sflag:s5] =	ssyncadd.s32 $0xFFFFA000  }
0x123: {  	_ =	swait.ge [sflag:s1], $0x6000  }
0x124: {  	[sflag:s1] =	ssyncset.done $0x0  }
0x125: {  	[sflag:s1] =	ssyncadd.s32 $0xFFFFA000  }
0x126: {  	v3 =	vld [tilespmem:$0x180];
	_ =	sdelay $0x4  }
0x127: {  	v52 =	vshll.u32 v3, $0x1  }
0x128: {  	v3 =	vand.u32 $0x7, v3;
	v4 =	vand.u32 $0xFFFFFFF0, v52  }
0x129: {  	v3 =	vor.u32 v3, v4  }
0x12a: {  	v4 =	vperm.xlane v3, v0;
	_ =	sdelay $0x1  }
0x12b: {  	v3 =	vperm.xlane v3, v2;
	v4 =	vadd.s32 v1, v4;
	_ =	sdelay $0x1  }
0x12c: {  	v3 =	vadd.s32 v1, v3;
	_ =	sdelay $0x2  }
0x12d: {  	[tilespmem:s6], [sflag:$0x1] =	stream.indirect_vreg.gather [hbm4b:s2+s3], $0x80, v4, vm0, $0xb8;
	[tilespmem:$0xC280] =	vst v63  }
0x12e: {  	_ = 	snop  }
0x12f: {  	[tilespmem:s7], [sflag:$0x1] =	stream.indirect_vreg.gather [hbm4b:s2+s3], $0x80, v3, vm0, $0xb8;
	[tilespmem:$0xC280] =	vst v63  }
0x130: {  	v3 =	vld [tilespmem:$0x190];
	_ =	sdelay $0x4  }
0x131: {  	v53 =	vshll.u32 v3, $0x1  }
0x132: {  	v3 =	vand.u32 $0x7, v3;
	v4 =	vand.u32 $0xFFFFFFF0, v53  }
0x133: {  	v3 =	vor.u32 v3, v4  }
0x134: {  	v4 =	vperm.xlane v3, v0;
	_ =	sdelay $0x1  }
0x135: {  	v3 =	vperm.xlane v3, v2;
	v4 =	vadd.s32 v1, v4;
	_ =	sdelay $0x1  }
0x136: {  	v3 =	vadd.s32 v1, v3;
	_ =	sdelay $0x2  }
0x137: {  	[tilespmem:s8], [sflag:$0x1] =	stream.indirect_vreg.gather [hbm4b:s2+s3], $0x80, v4, vm0, $0xb8;
	[tilespmem:$0xC280] =	vst v63  }
0x138: {  	_ = 	snop  }
0x139: {  	[tilespmem:s9], [sflag:$0x1] =	stream.indirect_vreg.gather [hbm4b:s2+s3], $0x80, v3, vm0, $0xb8;
	[tilespmem:$0xC280] =	vst v63  }
0x13a: {  	v3 =	vld [tilespmem:$0x1A0];
	_ =	sdelay $0x4  }
0x13b: {  	v54 =	vshll.u32 v3, $0x1  }
0x13c: {  	v3 =	vand.u32 $0x7, v3;
	v4 =	vand.u32 $0xFFFFFFF0, v54  }
0x13d: {  	v3 =	vor.u32 v3, v4  }
0x13e: {  	v4 =	vperm.xlane v3, v0;
	_ =	sdelay $0x1  }
0x13f: {  	v3 =	vperm.xlane v3, v2;
	v4 =	vadd.s32 v1, v4;
	_ =	sdelay $0x1  }
0x140: {  	v3 =	vadd.s32 v1, v3;
	_ =	sdelay $0x2  }
0x141: {  	[tilespmem:s10], [sflag:$0x1] =	stream.indirect_vreg.gather [hbm4b:s2+s3], $0x80, v4, vm0, $0xb8;
	[tilespmem:$0xC280] =	vst v63  }
0x142: {  	_ = 	snop  }
0x143: {  	[tilespmem:s11], [sflag:$0x1] =	stream.indirect_vreg.gather [hbm4b:s2+s3], $0x80, v3, vm0, $0xb8;
	[tilespmem:$0xC280] =	vst v63  }
0x144: {  	v3 =	vld [tilespmem:$0x1B0];
	_ =	sdelay $0x4  }
0x145: {  	v55 =	vshll.u32 v3, $0x1  }
0x146: {  	v3 =	vand.u32 $0x7, v3;
	v4 =	vand.u32 $0xFFFFFFF0, v55  }
0x147: {  	v3 =	vor.u32 v3, v4  }
0x148: {  	v4 =	vperm.xlane v3, v0;
	_ =	sdelay $0x1  }
0x149: {  	v3 =	vperm.xlane v3, v2;
	v4 =	vadd.s32 v1, v4;
	_ =	sdelay $0x1  }
0x14a: {  	v3 =	vadd.s32 v1, v3;
	_ =	sdelay $0x2  }
0x14b: {  	[tilespmem:s12], [sflag:$0x1] =	stream.indirect_vreg.gather [hbm4b:s2+s3], $0x80, v4, vm0, $0xb8;
	[tilespmem:$0xC280] =	vst v63  }
0x14c: {  	_ = 	snop  }
0x14d: {  	[tilespmem:s13], [sflag:$0x1] =	stream.indirect_vreg.gather [hbm4b:s2+s3], $0x80, v3, vm0, $0xb8;
	[tilespmem:$0xC280] =	vst v63  }
0x14e: {  	v3 =	vld [tilespmem:$0x1C0];
	_ =	sdelay $0x4  }
0x14f: {  	v56 =	vshll.u32 v3, $0x1  }
0x150: {  	v3 =	vand.u32 $0x7, v3;
	v4 =	vand.u32 $0xFFFFFFF0, v56  }
0x151: {  	v3 =	vor.u32 v3, v4  }
0x152: {  	v4 =	vperm.xlane v3, v0;
	_ =	sdelay $0x1  }
0x153: {  	v3 =	vperm.xlane v3, v2;
	v4 =	vadd.s32 v1, v4;
	_ =	sdelay $0x1  }
0x154: {  	v3 =	vadd.s32 v1, v3;
	_ =	sdelay $0x2  }
0x155: {  	[tilespmem:s14], [sflag:$0x1] =	stream.indirect_vreg.gather [hbm4b:s2+s3], $0x80, v4, vm0, $0xb8;
	[tilespmem:$0xC280] =	vst v63  }
0x156: {  	_ = 	snop  }
0x157: {  	[tilespmem:s15], [sflag:$0x1] =	stream.indirect_vreg.gather [hbm4b:s2+s3], $0x80, v3, vm0, $0xb8;
	[tilespmem:$0xC280] =	vst v63  }
0x158: {  	v3 =	vld [tilespmem:$0x1D0];
	_ =	sdelay $0x4  }
0x159: {  	v57 =	vshll.u32 v3, $0x1  }
0x15a: {  	v3 =	vand.u32 $0x7, v3;
	v4 =	vand.u32 $0xFFFFFFF0, v57  }
0x15b: {  	v3 =	vor.u32 v3, v4  }
0x15c: {  	v4 =	vperm.xlane v3, v0;
	_ =	sdelay $0x1  }
0x15d: {  	v3 =	vperm.xlane v3, v2;
	v4 =	vadd.s32 v1, v4;
	_ =	sdelay $0x1  }
0x15e: {  	v3 =	vadd.s32 v1, v3;
	_ =	sdelay $0x2  }
0x15f: {  	[tilespmem:s16], [sflag:$0x1] =	stream.indirect_vreg.gather [hbm4b:s2+s3], $0x80, v4, vm0, $0xb8;
	[tilespmem:$0xC280] =	vst v63  }
0x160: {  	_ = 	snop  }
0x161: {  	[tilespmem:s17], [sflag:$0x1] =	stream.indirect_vreg.gather [hbm4b:s2+s3], $0x80, v3, vm0, $0xb8;
	[tilespmem:$0xC280] =	vst v63  }
0x162: {  	s0 =	rddreg [dreg:$0x7]  }
0x163: {  	[hbm4b:s0+s3] =	stream.linear.scatter [tilespmem:s19], [sflag:$0x3], $0x6000, $0x38;
	[tilespmem:$0xC280] =	vst v63  }
0x164: {  	_ =	swait.ge [sflag:s5], $0x6000  }
0x165: {  	[sflag:s5] =	ssyncset.done $0x0  }
0x166: {  	[sflag:s5] =	ssyncadd.s32 $0xFFFFA000  }
0x167: {  	_ =	swait.ge [sflag:s18], $0x6000  }
0x168: {  	[sflag:s18] =	ssyncset.done $0x0  }
0x169: {  	[sflag:s18] =	ssyncadd.s32 $0xFFFFA000  }
0x16a: {  	v3 =	vld [tilespmem:$0x1E0];
	_ =	sdelay $0x4  }
0x16b: {  	v58 =	vshll.u32 v3, $0x1  }
0x16c: {  	v3 =	vand.u32 $0x7, v3;
	v4 =	vand.u32 $0xFFFFFFF0, v58  }
0x16d: {  	v3 =	vor.u32 v3, v4  }
0x16e: {  	v4 =	vperm.xlane v3, v0;
	_ =	sdelay $0x1  }
0x16f: {  	v3 =	vperm.xlane v3, v2;
	v4 =	vadd.s32 v1, v4;
	_ =	sdelay $0x1  }
0x170: {  	v3 =	vadd.s32 v1, v3;
	_ =	sdelay $0x2  }
0x171: {  	[tilespmem:s19], [sflag:$0x2] =	stream.indirect_vreg.gather [hbm4b:s2+s3], $0x80, v4, vm0, $0xb8;
	[tilespmem:$0xC280] =	vst v63  }
0x172: {  	_ = 	snop  }
0x173: {  	[tilespmem:s20], [sflag:$0x2] =	stream.indirect_vreg.gather [hbm4b:s2+s3], $0x80, v3, vm0, $0xb8;
	[tilespmem:$0xC280] =	vst v63  }
0x174: {  	v3 =	vld [tilespmem:$0x1F0];
	_ =	sdelay $0x4  }
0x175: {  	v59 =	vshll.u32 v3, $0x1  }
0x176: {  	v3 =	vand.u32 $0x7, v3;
	v4 =	vand.u32 $0xFFFFFFF0, v59  }
0x177: {  	v3 =	vor.u32 v3, v4  }
0x178: {  	v4 =	vperm.xlane v3, v0;
	_ =	sdelay $0x1  }
0x179: {  	v3 =	vperm.xlane v3, v2;
	v4 =	vadd.s32 v1, v4;
	_ =	sdelay $0x1  }
0x17a: {  	v3 =	vadd.s32 v1, v3;
	_ =	sdelay $0x2  }
0x17b: {  	[tilespmem:s21], [sflag:$0x2] =	stream.indirect_vreg.gather [hbm4b:s2+s3], $0x80, v4, vm0, $0xb8;
	[tilespmem:$0xC280] =	vst v63  }
0x17c: {  	_ = 	snop  }
0x17d: {  	[tilespmem:s22], [sflag:$0x2] =	stream.indirect_vreg.gather [hbm4b:s2+s3], $0x80, v3, vm0, $0xb8;
	[tilespmem:$0xC280] =	vst v63  }
0x17e: {  	v3 =	vld [tilespmem:$0x200];
	_ =	sdelay $0x4  }
0x17f: {  	v60 =	vshll.u32 v3, $0x1  }
0x180: {  	v3 =	vand.u32 $0x7, v3;
	v4 =	vand.u32 $0xFFFFFFF0, v60  }
0x181: {  	v3 =	vor.u32 v3, v4  }
0x182: {  	v4 =	vperm.xlane v3, v0;
	_ =	sdelay $0x1  }
0x183: {  	v3 =	vperm.xlane v3, v2;
	v4 =	vadd.s32 v1, v4;
	_ =	sdelay $0x1  }
0x184: {  	v3 =	vadd.s32 v1, v3;
	_ =	sdelay $0x2  }
0x185: {  	[tilespmem:s23], [sflag:$0x2] =	stream.indirect_vreg.gather [hbm4b:s2+s3], $0x80, v4, vm0, $0xb8;
	[tilespmem:$0xC280] =	vst v63  }
0x186: {  	_ = 	snop  }
0x187: {  	[tilespmem:s24], [sflag:$0x2] =	stream.indirect_vreg.gather [hbm4b:s2+s3], $0x80, v3, vm0, $0xb8;
	[tilespmem:$0xC280] =	vst v63  }
0x188: {  	v3 =	vld [tilespmem:$0x210];
	_ =	sdelay $0x4  }
0x189: {  	v61 =	vshll.u32 v3, $0x1  }
0x18a: {  	v3 =	vand.u32 $0x7, v3;
	v4 =	vand.u32 $0xFFFFFFF0, v61  }
0x18b: {  	v3 =	vor.u32 v3, v4  }
0x18c: {  	v4 =	vperm.xlane v3, v0;
	_ =	sdelay $0x1  }
0x18d: {  	v3 =	vperm.xlane v3, v2;
	v4 =	vadd.s32 v1, v4;
	_ =	sdelay $0x1  }
0x18e: {  	v3 =	vadd.s32 v1, v3;
	_ =	sdelay $0x2  }
0x18f: {  	[tilespmem:s25], [sflag:$0x2] =	stream.indirect_vreg.gather [hbm4b:s2+s3], $0x80, v4, vm0, $0xb8;
	[tilespmem:$0xC280] =	vst v63  }
0x190: {  	_ = 	snop  }
0x191: {  	[tilespmem:s26], [sflag:$0x2] =	stream.indirect_vreg.gather [hbm4b:s2+s3], $0x80, v3, vm0, $0xb8;
	[tilespmem:$0xC280] =	vst v63  }
0x192: {  	v3 =	vld [tilespmem:$0x220];
	_ =	sdelay $0x4  }
0x193: {  	v62 =	vshll.u32 v3, $0x1  }
0x194: {  	v3 =	vand.u32 $0x7, v3;
	v4 =	vand.u32 $0xFFFFFFF0, v62  }
0x195: {  	v3 =	vor.u32 v3, v4  }
0x196: {  	v4 =	vperm.xlane v3, v0;
	_ =	sdelay $0x1  }
0x197: {  	v3 =	vperm.xlane v3, v2;
	v4 =	vadd.s32 v1, v4;
	_ =	sdelay $0x1  }
0x198: {  	v3 =	vadd.s32 v1, v3;
	_ =	sdelay $0x2  }
0x199: {  	[tilespmem:s28], [sflag:$0x2] =	stream.indirect_vreg.gather [hbm4b:s2+s3], $0x80, v4, vm0, $0xb8;
	[tilespmem:$0xC280] =	vst v63  }
0x19a: {  	_ = 	snop  }
0x19b: {  	[tilespmem:s29], [sflag:$0x2] =	stream.indirect_vreg.gather [hbm4b:s2+s3], $0x80, v3, vm0, $0xb8;
	[tilespmem:$0xC280] =	vst v63  }
0x19c: {  	v3 =	vld [tilespmem:$0x230];
	_ =	sdelay $0x4  }
0x19d: {  	v63 =	vshll.u32 v3, $0x1  }
0x19e: {  	v3 =	vand.u32 $0x7, v3;
	v4 =	vand.u32 $0xFFFFFFF0, v63  }
0x19f: {  	v3 =	vor.u32 v3, v4  }
0x1a0: {  	v4 =	vperm.xlane v3, v0;
	_ =	sdelay $0x1  }
0x1a1: {  	v3 =	vperm.xlane v3, v2;
	v4 =	vadd.s32 v1, v4;
	_ =	sdelay $0x1  }
0x1a2: {  	v3 =	vadd.s32 v1, v3;
	_ =	sdelay $0x2  }
0x1a3: {  	[tilespmem:s30], [sflag:$0x2] =	stream.indirect_vreg.gather [hbm4b:s2+s3], $0x80, v4, vm0, $0xb8;
	[tilespmem:$0xC280] =	vst v63  }
0x1a4: {  	_ = 	snop  }
0x1a5: {  	[tilespmem:s31], [sflag:$0x2] =	stream.indirect_vreg.gather [hbm4b:s2+s3], $0x80, v3, vm0, $0xb8;
	[tilespmem:$0xC280] =	vst v63  }
0x1a6: {  	s0 =	rddreg [dreg:$0x8]  }
0x1a7: {  	[hbm4b:s0+s3] =	stream.linear.scatter [tilespmem:s6], [sflag:$0x3], $0x6000, $0x38;
	[tilespmem:$0xC280] =	vst v63  }
0x1a8: {  	_ =	swait.ge [sflag:s5], $0x6000  }
0x1a9: {  	[sflag:s5] =	ssyncset.done $0x0  }
0x1aa: {  	[sflag:s5] =	ssyncadd.s32 $0xFFFFA000  }
0x1ab: {  	_ =	swait.ge [sflag:s1], $0x6000  }
0x1ac: {  	p0 =	sne.s32 s4, $0x1;
	[sflag:s1] =	ssyncset.done $0x0  }
.Ltmp0:
0x1ad: {  	s0 =	rddreg [dreg:$0x9];
	[sflag:s1] =	ssyncadd.s32 $0xFFFFA000;
	(pc) =	sbr.rel @p0 .LBB2_1-.Ltmp0, $4  }
0x1ae: {  	[hbm4b:s0+s3] =	stream.linear.scatter [tilespmem:s19], [sflag:$0x3], $0x6000, $0x38;
	[tilespmem:$0xC280] =	vst v63  }
0x1af: {  	_ =	swait.ge [sflag:s5], $0x6000  }
0x1b0: {  	[sflag:s5] =	ssyncset.done $0x0  }
0x1b1: {  	s4 =	sadd.s32 $0xFFFFFFFF, s4;
	[sflag:s5] =	ssyncadd.s32 $0xFFFFA000  }
0x1b2: {  	_ =	sfence.sel $0x180000  }
0x1b3: {  	[bflag:$0x0] =	sbarrier.arrive $0xFFFF  }
0x1b4: {  	_ =	strace $0x90000047  }
0x1b5: {  	s0 =	stileid.u32;
	[bflag:$0x2] =	sbarrier.arrive $0xFFFF  }
0x1b6: {  	p0 =	sne.s32 s0, $0x0;
	s0 =	rddreg [dreg:$0x2]  }
0x1b7: {  	s0 =	sadd.s32 @!p0 $0x100000, s0  }
0x1b8: {  	[sflag:s0] =	ssyncadd.tile.s32 @!p0 $0x1;
	_ =	shalt  }
.Lfunc_end2:
_tile_overlayer_lowered:
.L_overlay_start_2:
0x1b9: {  	(tag) =	ssettag $0x2  }
0x1ba: {  	s0 =	rddreg [dreg:$0x0];
	s2 =	stileid.u32  }
0x1bb: {  	s1 =	rddreg [dreg:$0x1];
	p0 =	sne.s32 s2, $0x0  }
0x1bc: {  	s3 =	rddreg [dreg:$0x2];
	[bflag:$0x3] =	sbarrier.arrive $0xFFFF;
	s2 =	simm.s32 @!p0 $0x1C03  }
0x1bd: {  	[timem:s3], [sflag:s2] =	dma.local @!p0 [hbm:s0], s1  }
0x1be: {  	s0 =	simm.s32 @!p0 $0x3  }
0x1bf: {  	_ =	swait.ge @!p0 [sflag:s0], s1  }
0x1c0: {  	s1 =	ssub.s32 @!p0 $0x0, s1;
	[sflag:s0] =	ssyncset.done @!p0 $0x0  }
0x1c1: {  	[sflag:s0] =	ssyncadd.s32 @!p0 s1  }
0x1c2: {  	[bflag:$0x3] =	sbarrier.arrive $0xFFFF  }
0x1c3: {  	_ =	shalt  }

</sc_bundles>
